<compile_context>
chip_gen: v7x
topology: tpu7x:2x2x1
jax: 0.10.2.dev20260603
libtpu: 0.0.44.dev20260713+nightly
codegen_flags: <defaults>
</compile_context>

<pallas_src>
import dataclasses
import functools

import jax
import jax.numpy as jnp
from jax import lax
from jax.experimental import pallas as pl
from jax.experimental.pallas import tpu as pltpu
from jax.experimental.pallas import tpu_sc as plsc

N_ELEMS = 16 * 512 * 512
NB = 8191
HI = 16.0
H = NB + 1
HSIZE = 2 * H
NC, NS, LANES = 2, 16, 16
NW = NC * NS
CHUNK = 8192
UNROLL = 8
SCALE = 511.5


def _sc_hist_kernel(x_hbm, t_hbm, cnt_out, sm_out, mx_out, cnt_v, sm_v, mx_v):
    wid = lax.axis_index("s") * NC + lax.axis_index("c")

    ones = jnp.full((LANES,), 1.0, jnp.float32)
    zeros = jnp.zeros((LANES,), jnp.float32)

    @plsc.parallel_loop(0, HSIZE, step=LANES, unroll=8)
    def _(i):
        cnt_v[pl.ds(i, LANES)] = zeros
        sm_v[pl.ds(i, LANES)] = zeros

    mx_v[...] = zeros

    def body(x_vmem, t_vmem):
        @plsc.parallel_loop(
            0, CHUNK, step=LANES, unroll=UNROLL,
            carry=jnp.zeros((LANES,), jnp.float32),
        )
        def loop(c, mx):
            row = c >> 9
            col = c & 511
            xv = x_vmem[row, pl.ds(col, LANES)]
            tf = t_vmem[row, pl.ds(col, LANES)].astype(jnp.float32)
            e = 1.0 - xv * (tf + tf - 1.0)
            r = jnp.maximum(e, 0.0)
            m = jnp.minimum(r, HI)
            kf = m * SCALE + (tf * float(H) + 1.0)
            k = kf.astype(jnp.int32)
            plsc.addupdate_scatter(cnt_v, [k], ones)
            plsc.addupdate_scatter(sm_v, [k], r)
            return jnp.maximum(mx, r)

        mx_v[...] = jnp.maximum(mx_v[...], loop)

    pltpu.emit_pipeline(
        body,
        grid=(N_ELEMS // CHUNK,),
        in_specs=[
            pl.BlockSpec((CHUNK // 512, 512), lambda i: (i, 0)),
            pl.BlockSpec((CHUNK // 512, 512), lambda i: (i, 0)),
        ],
        core_axis_name=("c", "s"),
        dimension_semantics=(pltpu.PARALLEL,),
    )(x_hbm, t_hbm)

    pltpu.sync_copy(cnt_v, cnt_out.at[wid])
    pltpu.sync_copy(sm_v, sm_out.at[wid])
    pltpu.sync_copy(mx_v, mx_out.at[wid])


def _shift_down(x, k, axis):
    pads = [(0, 0), (0, 0)]
    pads[axis] = (k, 0)
    padded = jnp.pad(x, pads)
    if axis == 0:
        return padded[: x.shape[0], :]
    return padded[:, : x.shape[1]]


def _prefix2d(x):
    for k in (1, 2, 4, 8, 16, 32, 64):
        x = x + _shift_down(x, k, 1)
    rt = x[:, 127:128]
    rti = rt
    k = 1
    while k < x.shape[0]:
        rti = rti + _shift_down(rti, k, 0)
        k *= 2
    return x + (rti - rt)


def _tc_finish_kernel(cnt_ref, sm_ref, mx_ref, out_ref):
    cnt = jnp.sum(cnt_ref[...], axis=0)
    sm = jnp.sum(sm_ref[...], axis=0)
    cn = cnt[:64, :]
    cp = cnt[64:, :]
    sn = sm[:64, :]
    sp = sm[64:, :]
    pref_cn = _prefix2d(cn)
    pref_cp = _prefix2d(cp)
    p_tot = jnp.sum(cp)
    n_tot = jnp.sum(cn)
    ngt = n_tot - pref_cn
    pge = p_tot - pref_cp + cp
    a = p_tot + ngt
    contrib = sp / a + sn * (p_tot - pge) / (a * (a + cn))
    loss = jnp.sum(contrib)
    maxr = jnp.max(mx_ref[...])
    out = jnp.where(p_tot > 0.0, loss, maxr)
    out_ref[...] = out * jnp.ones((1, 1), jnp.float32)


_SC_PARAMS = pltpu.CompilerParams()
if "needs_layout_passes" in pltpu.CompilerParams.__dataclass_fields__:
    _SC_PARAMS = dataclasses.replace(_SC_PARAMS, needs_layout_passes=False)
_SC_PARAMS = dataclasses.replace(_SC_PARAMS, use_tc_tiling_on_sc=True)


@functools.partial(
    pl.kernel,
    compiler_params=_SC_PARAMS,
    out_type=[
        jax.ShapeDtypeStruct((NW, HSIZE), jnp.float32),
        jax.ShapeDtypeStruct((NW, HSIZE), jnp.float32),
        jax.ShapeDtypeStruct((NW, LANES), jnp.float32),
    ],
    mesh=plsc.VectorSubcoreMesh(core_axis_name="c", subcore_axis_name="s"),
    scratch_types=[
        pltpu.VMEM((HSIZE,), jnp.float32),
        pltpu.VMEM((HSIZE,), jnp.float32),
        pltpu.VMEM((LANES,), jnp.float32),
    ],
)
def _sc_hist(x_hbm, t_hbm, cnt_out, sm_out, mx_out, cnt_v, sm_v, mx_v):
    _sc_hist_kernel(x_hbm, t_hbm, cnt_out, sm_out, mx_out, cnt_v, sm_v, mx_v)


_tc_finish = pl.pallas_call(
    _tc_finish_kernel,
    out_shape=jax.ShapeDtypeStruct((1, 1), jnp.float32),
)


def kernel(inputs, targets):
    x = inputs.reshape(-1, 512)
    t = targets.reshape(-1, 512)
    cnt, sm, mx = _sc_hist(x, t)
    loss = _tc_finish(
        cnt.reshape(NW, 128, 128), sm.reshape(NW, 128, 128), mx
    )
    return loss[0, 0]

# --- scband reference (transcript-rebuilt; emitter-appended) ---
"""Pipeline reference for scband-lovasz-hinge-loss-13907104104994 (READ-ONLY COPY).

The authoritative reference and input builder live on the scoring server;
editing this copy changes nothing except your own understanding.
"""

import jax, jax.numpy as jnp
import numpy as np


def setup_inputs(seed: int = 0) -> dict:
    key = jax.random.key(seed)
    k1, k2 = jax.random.split(key)
    inputs = jax.random.normal(k1, (16, 1, 512, 512), dtype=jnp.float32)
    targets = jax.random.randint(k2, (16, 1, 512, 512), 0, 2).astype(jnp.int32)
    return {"inputs": inputs, "targets": targets}


def reference(inputs, targets):
    # lovasz_hinge with per_image=False: flatten all pixels into one vector
    logits = inputs.reshape(-1)
    labels = targets.reshape(-1).astype(jnp.float32)
    # hinge errors
    signs = 2.0 * labels - 1.0
    errors = 1.0 - logits * signs
    # sort errors in descending order
    perm = jnp.argsort(-errors)
    errors_sorted = errors[perm]
    gt_sorted = labels[perm]
    # lovasz_grad(gt_sorted)
    gts = jnp.sum(gt_sorted)
    intersection = gts - jnp.cumsum(gt_sorted)
    union = gts + jnp.cumsum(1.0 - gt_sorted)
    jaccard = 1.0 - intersection / union
    grad = jnp.concatenate([jaccard[:1], jaccard[1:] - jaccard[:-1]])
    # loss = <relu(errors_sorted), grad>  (grad is detached w.r.t. logits: it
    # only depends on integer labels, so no float gradient flows through it)
    loss = jnp.dot(jax.nn.relu(errors_sorted), grad)
    return loss

if __name__ == "__main__":
    import jax
    _d = setup_inputs()
    print(jax.jit(kernel)(*tuple(_d.values())))

</pallas_src>

<mosaic_0001>
#map = affine_map<(d0, d1) -> (0, 0)>
module attributes {stable_mosaic.version = 14 : i64} {
  func.func @_sc_hist(%arg0: i32, %arg1: i32, %arg2: memref<8192x512xf32, #tpu.memory_space<hbm>>, %arg3: memref<8192x512xi32, #tpu.memory_space<hbm>>, %arg4: memref<32x16384xf32, #tpu.memory_space<hbm>>, %arg5: memref<32x16384xf32, #tpu.memory_space<hbm>>, %arg6: memref<32x16xf32, #tpu.memory_space<hbm>>, %arg7: memref<16384xf32, #tpu.memory_space<vmem>>, %arg8: memref<16384xf32, #tpu.memory_space<vmem>>, %arg9: memref<16xf32, #tpu.memory_space<vmem>>) attributes {dimension_semantics = [#tpu.dimension_semantics<core_parallel>, #tpu.dimension_semantics<subcore_parallel>], iteration_bounds = array<i64: 2, 16>, scalar_prefetch = 0 : i64, scratch_operands = 3 : i64, tpu.core_type = #tpu.core_type<sc_vector_subcore>, window_params = [{transform_indices = #map}, {transform_indices = #map}, {transform_indices = #map}, {transform_indices = #map}, {transform_indices = #map}]} {
    %mul3A = arith.constant 2 : i32
    %mul3A_0 = arith.muli %arg1, %mul3A : i32
    %add3A = arith.addi %mul3A_0, %arg0 : i32
    %broadcast_in_dim3A = arith.constant 1.000000e+00 : f32
    %broadcast_in_dim3A_1 = vector.broadcast %broadcast_in_dim3A : f32 to vector<16xf32>
    %broadcast_in_dim3A_2 = arith.constant 0.000000e+00 : f32
    %broadcast_in_dim3A_3 = vector.broadcast %broadcast_in_dim3A_2 : f32 to vector<16xf32>
    %parallel_loop3A = arith.constant 0 : i32
    %parallel_loop3A_4 = arith.constant 16384 : i32
    %parallel_loop3A_5 = arith.constant 16 : i32
    scf.for %parallel_loop3A_16 = %parallel_loop3A to %parallel_loop3A_4 step %parallel_loop3A_5  : i32 {
      %parallel_loop3A_17 = arith.index_cast %parallel_loop3A_16 : i32 to index
      %parallel_loop3A_18 = tpu.vector_load %arg7[%parallel_loop3A_17] {strides = array<i32>} : memref<16384xf32, #tpu.memory_space<vmem>>, vector<16xf32>,
      tpu.vector_store %arg7[%parallel_loop3A_17], %broadcast_in_dim3A_3 {strides = array<i32>} : memref<16384xf32, #tpu.memory_space<vmem>>, vector<16xf32>,
      %parallel_loop3A_19 = arith.index_cast %parallel_loop3A_16 : i32 to index
      %parallel_loop3A_20 = tpu.vector_load %arg8[%parallel_loop3A_19] {strides = array<i32>} : memref<16384xf32, #tpu.memory_space<vmem>>, vector<16xf32>,
      tpu.vector_store %arg8[%parallel_loop3A_19], %broadcast_in_dim3A_3 {strides = array<i32>} : memref<16384xf32, #tpu.memory_space<vmem>>, vector<16xf32>,
    } {sc.loop_unroll_factor = 8 : i64, sc.parallel_access}
    %swap3A = arith.constant 0 : index
    %swap3A_6 = tpu.vector_load %arg9[%swap3A] {strides = array<i32>} : memref<16xf32, #tpu.memory_space<vmem>>, vector<16xf32>,
    tpu.vector_store %arg9[%swap3A], %broadcast_in_dim3A_3 {strides = array<i32>} : memref<16xf32, #tpu.memory_space<vmem>>, vector<16xf32>,
    %mul3A_7 = arith.constant 1 : i32
    %mul3A_8 = arith.muli %arg1, %mul3A_7 : i32
    %add3A_9 = arith.constant 0 : i32
    %add3A_10 = arith.addi %add3A_9, %mul3A_8 : i32
    %mul3A_11 = arith.constant 16 : i32
    %mul3A_12 = arith.muli %arg0, %mul3A_11 : i32
    %add3A_13 = arith.addi %add3A_10, %mul3A_12 : i32
    %mul3A_14 = arith.constant 16 : i32
    %mul3A_15 = arith.muli %add3A_13, %mul3A_14 : i32
    "tpu.region"() ({
      %run_scoped3A = memref.alloca() : memref<2x16x512xf32, #tpu.memory_space<vmem>>
      %run_scoped3A_16 = tpu.sem_alloc : memref<2x!tpu.dma_semaphore, #tpu.memory_space<semaphore_mem>>
      %run_scoped3A_17 = memref.alloca() : memref<2x16x512xi32, #tpu.memory_space<vmem>>
      %run_scoped3A_18 = tpu.sem_alloc : memref<2x!tpu.dma_semaphore, #tpu.memory_space<semaphore_mem>>
      %add3A_19 = arith.constant 0 : i32
      %add3A_20 = arith.addi %add3A_19, %mul3A_15 : i32
      %select_n3A = arith.constant true
      %select_n3A_21 = arith.constant 0 : i32
      %select_n3A_22 = arith.constant -1 : i32
      %select_n3A_23 = arith.select %select_n3A, %select_n3A_22, %select_n3A_21 : i32
      %eq3A = arith.constant -1 : i32
      %eq3A_24 = arith.cmpi eq, %select_n3A_23, %eq3A : i32
      %select_n3A_25 = arith.constant 15 : i32
      %select_n3A_26 = arith.select %eq3A_24, %select_n3A_25, %select_n3A_23 : i32
      %add3A_27 = arith.addi %select_n3A_26, %mul3A_15 : i32
      %select_n3A_28 = arith.constant true
      %select_n3A_29 = arith.constant 0 : i32
      %select_n3A_30 = arith.constant 1 : i32
      %select_n3A_31 = arith.select %select_n3A_28, %select_n3A_30, %select_n3A_29 : i32
      %eq3A_32 = arith.constant 16 : i32
      %eq3A_33 = arith.cmpi eq, %select_n3A_31, %eq3A_32 : i32
      %select_n3A_34 = arith.constant 0 : i32
      %select_n3A_35 = arith.select %eq3A_33, %select_n3A_34, %select_n3A_31 : i32
      %add3A_36 = arith.addi %select_n3A_35, %mul3A_15 : i32
      %add3A_37 = arith.constant 1 : i32
      %add3A_38 = arith.addi %select_n3A_35, %add3A_37 : i32
      %select_n3A_39 = arith.constant true
      %select_n3A_40 = arith.select %select_n3A_39, %add3A_38, %select_n3A_35 : i32
      %eq3A_41 = arith.constant 16 : i32
      %eq3A_42 = arith.cmpi eq, %select_n3A_40, %eq3A_41 : i32
      %select_n3A_43 = arith.constant 0 : i32
      %select_n3A_44 = arith.select %eq3A_42, %select_n3A_43, %select_n3A_40 : i32
      %add3A_45 = arith.addi %select_n3A_44, %mul3A_15 : i32
      "tpu.trace_start"() <{level = 10 : i32, message = "ep_initialize_0"}> : () -> ()
      %rem3A = arith.constant 0 : i32
      %rem3A_46 = arith.constant 2 : i32
      %rem3A_47 = arith.remui %rem3A, %rem3A_46 : i32
      %mul3A_48 = arith.constant 16 : i32
      %mul3A_49 = arith.muli %mul3A_48, %add3A_20 : i32
      %dma_start3A = arith.constant 0 : i32
      %dma_start3A_50 = arith.constant 0 : i32
      %dma_start3A_51 = tpu.memref_slice %run_scoped3A[%rem3A_47, %dma_start3A, %dma_start3A_50] : memref<2x16x512xf32, #tpu.memory_space<vmem>> -> memref<1x16x512xf32, #tpu.memory_space<vmem>>
      %dma_start3A_52 = tpu.memref_squeeze %dma_start3A_51 : memref<1x16x512xf32, #tpu.memory_space<vmem>> -> memref<16x512xf32, #tpu.memory_space<vmem>>
      %dma_start3A_53 = arith.constant 0 : i32
      %dma_start3A_54 = tpu.memref_slice %arg2[%mul3A_49, %dma_start3A_53] : memref<8192x512xf32, #tpu.memory_space<hbm>> -> memref<16x512xf32, #tpu.memory_space<hbm>>
      %dma_start3A_55 = tpu.memref_slice %run_scoped3A_16[%rem3A_47] : memref<2x!tpu.dma_semaphore, #tpu.memory_space<semaphore_mem>> -> memref<1x!tpu.dma_semaphore, #tpu.memory_space<semaphore_mem>>
      %dma_start3A_56 = tpu.memref_squeeze %dma_start3A_55 : memref<1x!tpu.dma_semaphore, #tpu.memory_space<semaphore_mem>> -> memref<!tpu.dma_semaphore, #tpu.memory_space<semaphore_mem>>
      %dma_start3A_57 = arith.constant 0 : i32
      %dma_start3A_58 = arith.constant 0 : i32
      %dma_start3A_59 = tpu.memref_slice %run_scoped3A[%rem3A_47, %dma_start3A_57, %dma_start3A_58] : memref<2x16x512xf32, #tpu.memory_space<vmem>> -> memref<1x16x512xf32, #tpu.memory_space<vmem>>
      %dma_start3A_60 = tpu.memref_squeeze %dma_start3A_59 : memref<1x16x512xf32, #tpu.memory_space<vmem>> -> memref<16x512xf32, #tpu.memory_space<vmem>>
      %dma_start3A_61 = arith.constant 0 : i32
      %dma_start3A_62 = tpu.memref_slice %arg2[%mul3A_49, %dma_start3A_61] : memref<8192x512xf32, #tpu.memory_space<hbm>> -> memref<16x512xf32, #tpu.memory_space<hbm>>
      tpu.enqueue_dma source(%dma_start3A_62 : memref<16x512xf32, #tpu.memory_space<hbm>>) target(%dma_start3A_60 : memref<16x512xf32, #tpu.memory_space<vmem>>) target_semaphore(%dma_start3A_56 : memref<!tpu.dma_semaphore, #tpu.memory_space<semaphore_mem>>)
      %add3A_63 = arith.constant 0 : i32
      %add3A_64 = arith.constant 1 : i32
      %add3A_65 = arith.addi %add3A_63, %add3A_64 : i32
      %select_n3A_66 = arith.constant true
      %select_n3A_67 = arith.constant 0 : i32
      %select_n3A_68 = arith.select %select_n3A_66, %add3A_65, %select_n3A_67 : i32
      %rem3A_69 = arith.constant 0 : i32
      %rem3A_70 = arith.constant 2 : i32
      %rem3A_71 = arith.remui %rem3A_69, %rem3A_70 : i32
      %mul3A_72 = arith.constant 16 : i32
      %mul3A_73 = arith.muli %mul3A_72, %add3A_20 : i32
      %dma_start3A_74 = arith.constant 0 : i32
      %dma_start3A_75 = arith.constant 0 : i32
      %dma_start3A_76 = tpu.memref_slice %run_scoped3A_17[%rem3A_71, %dma_start3A_74, %dma_start3A_75] : memref<2x16x512xi32, #tpu.memory_space<vmem>> -> memref<1x16x512xi32, #tpu.memory_space<vmem>>
      %dma_start3A_77 = tpu.memref_squeeze %dma_start3A_76 : memref<1x16x512xi32, #tpu.memory_space<vmem>> -> memref<16x512xi32, #tpu.memory_space<vmem>>
      %dma_start3A_78 = arith.constant 0 : i32
      %dma_start3A_79 = tpu.memref_slice %arg3[%mul3A_73, %dma_start3A_78] : memref<8192x512xi32, #tpu.memory_space<hbm>> -> memref<16x512xi32, #tpu.memory_space<hbm>>
      %dma_start3A_80 = tpu.memref_slice %run_scoped3A_18[%rem3A_71] : memref<2x!tpu.dma_semaphore, #tpu.memory_space<semaphore_mem>> -> memref<1x!tpu.dma_semaphore, #tpu.memory_space<semaphore_mem>>
      %dma_start3A_81 = tpu.memref_squeeze %dma_start3A_80 : memref<1x!tpu.dma_semaphore, #tpu.memory_space<semaphore_mem>> -> memref<!tpu.dma_semaphore, #tpu.memory_space<semaphore_mem>>
      %dma_start3A_82 = arith.constant 0 : i32
      %dma_start3A_83 = arith.constant 0 : i32
      %dma_start3A_84 = tpu.memref_slice %run_scoped3A_17[%rem3A_71, %dma_start3A_82, %dma_start3A_83] : memref<2x16x512xi32, #tpu.memory_space<vmem>> -> memref<1x16x512xi32, #tpu.memory_space<vmem>>
      %dma_start3A_85 = tpu.memref_squeeze %dma_start3A_84 : memref<1x16x512xi32, #tpu.memory_space<vmem>> -> memref<16x512xi32, #tpu.memory_space<vmem>>
      %dma_start3A_86 = arith.constant 0 : i32
      %dma_start3A_87 = tpu.memref_slice %arg3[%mul3A_73, %dma_start3A_86] : memref<8192x512xi32, #tpu.memory_space<hbm>> -> memref<16x512xi32, #tpu.memory_space<hbm>>
      tpu.enqueue_dma source(%dma_start3A_87 : memref<16x512xi32, #tpu.memory_space<hbm>>) target(%dma_start3A_85 : memref<16x512xi32, #tpu.memory_space<vmem>>) target_semaphore(%dma_start3A_81 : memref<!tpu.dma_semaphore, #tpu.memory_space<semaphore_mem>>)
      %add3A_88 = arith.constant 0 : i32
      %add3A_89 = arith.constant 1 : i32
      %add3A_90 = arith.addi %add3A_88, %add3A_89 : i32
      %select_n3A_91 = arith.constant true
      %select_n3A_92 = arith.constant 0 : i32
      %select_n3A_93 = arith.select %select_n3A_91, %add3A_90, %select_n3A_92 : i32
      "tpu.trace_stop"() : () -> ()
      %scan3A = arith.constant 0 : i32
      %scan3A_94 = arith.constant 0 : i32
      %scan3A_95 = arith.constant 0 : i32
      %scan3A_96 = arith.constant 0 : i32
      %scan3A_97 = arith.constant 16 : i32
      %scan3A_98 = arith.addi %scan3A_96, %scan3A_97 : i32
      %scan3A_99 = arith.constant 1 : i32
      %scan3A_100:5 = scf.for %scan3A_137 = %scan3A_96 to %scan3A_98 step %scan3A_99 iter_args(%scan3A_138 = %select_n3A_68, %scan3A_139 = %scan3A, %scan3A_140 = %select_n3A_93, %scan3A_141 = %scan3A_94, %scan3A_142 = %scan3A_95) -> (i32, i32, i32, i32, i32)  : i32 {
        %eq3A_143 = arith.constant 0 : i32
        %eq3A_144 = arith.cmpi eq, %scan3A_137, %eq3A_143 : i32
        %eq3A_145 = arith.constant 15 : i32
        %eq3A_146 = arith.cmpi eq, %scan3A_137, %eq3A_145 : i32
        %add3A_147 = arith.addi %scan3A_142, %mul3A_15 : i32
        %sub3A_148 = arith.constant 1 : i32
        %sub3A_149 = arith.subi %scan3A_142, %sub3A_148 : i32
        %select_n3A_150 = arith.constant true
        %select_n3A_151 = arith.select %select_n3A_150, %sub3A_149, %scan3A_142 : i32
        %eq3A_152 = arith.constant -1 : i32
        %eq3A_153 = arith.cmpi eq, %select_n3A_151, %eq3A_152 : i32
        %select_n3A_154 = arith.constant 15 : i32
        %select_n3A_155 = arith.select %eq3A_153, %select_n3A_154, %select_n3A_151 : i32
        %add3A_156 = arith.addi %select_n3A_155, %mul3A_15 : i32
        %add3A_157 = arith.constant 1 : i32
        %add3A_158 = arith.addi %scan3A_142, %add3A_157 : i32
        %select_n3A_159 = arith.constant true
        %select_n3A_160 = arith.select %select_n3A_159, %add3A_158, %scan3A_142 : i32
        %eq3A_161 = arith.constant 16 : i32
        %eq3A_162 = arith.cmpi eq, %select_n3A_160, %eq3A_161 : i32
        %select_n3A_163 = arith.constant 0 : i32
        %select_n3A_164 = arith.select %eq3A_162, %select_n3A_163, %select_n3A_160 : i32
        %add3A_165 = arith.addi %select_n3A_164, %mul3A_15 : i32
        %add3A_166 = arith.constant 1 : i32
        %add3A_167 = arith.addi %select_n3A_164, %add3A_166 : i32
        %select_n3A_168 = arith.constant true
        %select_n3A_169 = arith.select %select_n3A_168, %add3A_167, %select_n3A_164 : i32
        %eq3A_170 = arith.constant 16 : i32
        %eq3A_171 = arith.cmpi eq, %select_n3A_169, %eq3A_170 : i32
        %select_n3A_172 = arith.constant 0 : i32
        %select_n3A_173 = arith.select %eq3A_171, %select_n3A_172, %select_n3A_169 : i32
        %add3A_174 = arith.addi %select_n3A_173, %mul3A_15 : i32
        %ne3A = arith.cmpi ne, %add3A_147, %add3A_165 : i32
        %or3A = arith.constant false
        %or3A_175 = arith.ori %or3A, %ne3A : i1
        %or3A_176 = arith.constant false
        %or3A_177 = arith.ori %or3A_175, %or3A_176 : i1
        %ge3A = arith.constant 15 : i32
        %ge3A_178 = arith.cmpi sge, %scan3A_137, %ge3A : i32
        %not3A = arith.constant true
        %not3A_179 = arith.xori %ge3A_178, %not3A : i1
        %and3A = arith.andi %or3A_177, %not3A_179 : i1
        %convert_element_type3A = arith.extui %and3A : i1 to i32
        %cond3A = arith.constant 0 : i32
        %cond3A_180 = arith.cmpi ne, %convert_element_type3A, %cond3A : i32
        scf.if %cond3A_180 {
          "tpu.trace_start"() <{level = 10 : i32, message = "ep_copy_in"}> : () -> ()
          %rem3A_309 = arith.constant 2 : i32
          %rem3A_310 = arith.remui %scan3A_138, %rem3A_309 : i32
          %mul3A_311 = arith.constant 16 : i32
          %mul3A_312 = arith.muli %mul3A_311, %add3A_165 : i32
          %dma_start3A_313 = arith.constant 0 : i32
          %dma_start3A_314 = arith.constant 0 : i32
          %dma_start3A_315 = tpu.memref_slice %run_scoped3A[%rem3A_310, %dma_start3A_313, %dma_start3A_314] : memref<2x16x512xf32, #tpu.memory_space<vmem>> -> memref<1x16x512xf32, #tpu.memory_space<vmem>>
          %dma_start3A_316 = tpu.memref_squeeze %dma_start3A_315 : memref<1x16x512xf32, #tpu.memory_space<vmem>> -> memref<16x512xf32, #tpu.memory_space<vmem>>
          %dma_start3A_317 = arith.constant 0 : i32
          %dma_start3A_318 = tpu.memref_slice %arg2[%mul3A_312, %dma_start3A_317] : memref<8192x512xf32, #tpu.memory_space<hbm>> -> memref<16x512xf32, #tpu.memory_space<hbm>>
          %dma_start3A_319 = tpu.memref_slice %run_scoped3A_16[%rem3A_310] : memref<2x!tpu.dma_semaphore, #tpu.memory_space<semaphore_mem>> -> memref<1x!tpu.dma_semaphore, #tpu.memory_space<semaphore_mem>>
          %dma_start3A_320 = tpu.memref_squeeze %dma_start3A_319 : memref<1x!tpu.dma_semaphore, #tpu.memory_space<semaphore_mem>> -> memref<!tpu.dma_semaphore, #tpu.memory_space<semaphore_mem>>
          %dma_start3A_321 = arith.constant 0 : i32
          %dma_start3A_322 = arith.constant 0 : i32
          %dma_start3A_323 = tpu.memref_slice %run_scoped3A[%rem3A_310, %dma_start3A_321, %dma_start3A_322] : memref<2x16x512xf32, #tpu.memory_space<vmem>> -> memref<1x16x512xf32, #tpu.memory_space<vmem>>
          %dma_start3A_324 = tpu.memref_squeeze %dma_start3A_323 : memref<1x16x512xf32, #tpu.memory_space<vmem>> -> memref<16x512xf32, #tpu.memory_space<vmem>>
          %dma_start3A_325 = arith.constant 0 : i32
          %dma_start3A_326 = tpu.memref_slice %arg2[%mul3A_312, %dma_start3A_325] : memref<8192x512xf32, #tpu.memory_space<hbm>> -> memref<16x512xf32, #tpu.memory_space<hbm>>
          tpu.enqueue_dma source(%dma_start3A_326 : memref<16x512xf32, #tpu.memory_space<hbm>>) target(%dma_start3A_324 : memref<16x512xf32, #tpu.memory_space<vmem>>) target_semaphore(%dma_start3A_320 : memref<!tpu.dma_semaphore, #tpu.memory_space<semaphore_mem>>)
          "tpu.trace_stop"() : () -> ()
        } else {
        }
        %and3A_181 = arith.constant true
        %and3A_182 = arith.andi %and3A, %and3A_181 : i1
        %add3A_183 = arith.constant 1 : i32
        %add3A_184 = arith.addi %scan3A_138, %add3A_183 : i32
        %select_n3A_185 = arith.select %and3A_182, %add3A_184, %scan3A_138 : i32
        %ne3A_186 = arith.cmpi ne, %add3A_147, %add3A_165 : i32
        %or3A_187 = arith.constant false
        %or3A_188 = arith.ori %or3A_187, %ne3A_186 : i1
        %or3A_189 = arith.constant false
        %or3A_190 = arith.ori %or3A_188, %or3A_189 : i1
        %ge3A_191 = arith.constant 15 : i32
        %ge3A_192 = arith.cmpi sge, %scan3A_137, %ge3A_191 : i32
        %not3A_193 = arith.constant true
        %not3A_194 = arith.xori %ge3A_192, %not3A_193 : i1
        %and3A_195 = arith.andi %or3A_190, %not3A_194 : i1
        %convert_element_type3A_196 = arith.extui %and3A_195 : i1 to i32
        %cond3A_197 = arith.constant 0 : i32
        %cond3A_198 = arith.cmpi ne, %convert_element_type3A_196, %cond3A_197 : i32
        scf.if %cond3A_198 {
          "tpu.trace_start"() <{level = 10 : i32, message = "ep_copy_in"}> : () -> ()
          %rem3A_309 = arith.constant 2 : i32
          %rem3A_310 = arith.remui %scan3A_140, %rem3A_309 : i32
          %mul3A_311 = arith.constant 16 : i32
          %mul3A_312 = arith.muli %mul3A_311, %add3A_165 : i32
          %dma_start3A_313 = arith.constant 0 : i32
          %dma_start3A_314 = arith.constant 0 : i32
          %dma_start3A_315 = tpu.memref_slice %run_scoped3A_17[%rem3A_310, %dma_start3A_313, %dma_start3A_314] : memref<2x16x512xi32, #tpu.memory_space<vmem>> -> memref<1x16x512xi32, #tpu.memory_space<vmem>>
          %dma_start3A_316 = tpu.memref_squeeze %dma_start3A_315 : memref<1x16x512xi32, #tpu.memory_space<vmem>> -> memref<16x512xi32, #tpu.memory_space<vmem>>
          %dma_start3A_317 = arith.constant 0 : i32
          %dma_start3A_318 = tpu.memref_slice %arg3[%mul3A_312, %dma_start3A_317] : memref<8192x512xi32, #tpu.memory_space<hbm>> -> memref<16x512xi32, #tpu.memory_space<hbm>>
          %dma_start3A_319 = tpu.memref_slice %run_scoped3A_18[%rem3A_310] : memref<2x!tpu.dma_semaphore, #tpu.memory_space<semaphore_mem>> -> memref<1x!tpu.dma_semaphore, #tpu.memory_space<semaphore_mem>>
          %dma_start3A_320 = tpu.memref_squeeze %dma_start3A_319 : memref<1x!tpu.dma_semaphore, #tpu.memory_space<semaphore_mem>> -> memref<!tpu.dma_semaphore, #tpu.memory_space<semaphore_mem>>
          %dma_start3A_321 = arith.constant 0 : i32
          %dma_start3A_322 = arith.constant 0 : i32
          %dma_start3A_323 = tpu.memref_slice %run_scoped3A_17[%rem3A_310, %dma_start3A_321, %dma_start3A_322] : memref<2x16x512xi32, #tpu.memory_space<vmem>> -> memref<1x16x512xi32, #tpu.memory_space<vmem>>
          %dma_start3A_324 = tpu.memref_squeeze %dma_start3A_323 : memref<1x16x512xi32, #tpu.memory_space<vmem>> -> memref<16x512xi32, #tpu.memory_space<vmem>>
          %dma_start3A_325 = arith.constant 0 : i32
          %dma_start3A_326 = tpu.memref_slice %arg3[%mul3A_312, %dma_start3A_325] : memref<8192x512xi32, #tpu.memory_space<hbm>> -> memref<16x512xi32, #tpu.memory_space<hbm>>
          tpu.enqueue_dma source(%dma_start3A_326 : memref<16x512xi32, #tpu.memory_space<hbm>>) target(%dma_start3A_324 : memref<16x512xi32, #tpu.memory_space<vmem>>) target_semaphore(%dma_start3A_320 : memref<!tpu.dma_semaphore, #tpu.memory_space<semaphore_mem>>)
          "tpu.trace_stop"() : () -> ()
        } else {
        }
        %and3A_199 = arith.constant true
        %and3A_200 = arith.andi %and3A_195, %and3A_199 : i1
        %add3A_201 = arith.constant 1 : i32
        %add3A_202 = arith.addi %scan3A_140, %add3A_201 : i32
        %select_n3A_203 = arith.select %and3A_200, %add3A_202, %scan3A_140 : i32
        %ne3A_204 = arith.cmpi ne, %add3A_147, %add3A_156 : i32
        %or3A_205 = arith.constant false
        %or3A_206 = arith.ori %or3A_205, %ne3A_204 : i1
        %or3A_207 = arith.constant false
        %or3A_208 = arith.ori %or3A_206, %or3A_207 : i1
        %or3A_209 = arith.ori %or3A_208, %eq3A_144 : i1
        %convert_element_type3A_210 = arith.extui %or3A_209 : i1 to i32
        %cond3A_211 = arith.constant 0 : i32
        %cond3A_212 = arith.cmpi ne, %convert_element_type3A_210, %cond3A_211 : i32
        scf.if %cond3A_212 {
          "tpu.trace_start"() <{level = 10 : i32, message = "ep_wait_in"}> : () -> ()
          %mul3A_309 = arith.constant 16 : i32
          %mul3A_310 = arith.muli %mul3A_309, %add3A_147 : i32
          %rem3A_311 = arith.constant 2 : i32
          %rem3A_312 = arith.remui %scan3A_139, %rem3A_311 : i32
          %dma_wait3A = arith.constant 0 : i32
          %dma_wait3A_313 = arith.constant 0 : i32
          %dma_wait3A_314 = tpu.memref_slice %run_scoped3A[%rem3A_312, %dma_wait3A, %dma_wait3A_313] : memref<2x16x512xf32, #tpu.memory_space<vmem>> -> memref<1x16x512xf32, #tpu.memory_space<vmem>>
          %dma_wait3A_315 = tpu.memref_squeeze %dma_wait3A_314 : memref<1x16x512xf32, #tpu.memory_space<vmem>> -> memref<16x512xf32, #tpu.memory_space<vmem>>
          %dma_wait3A_316 = arith.constant 0 : i32
          %dma_wait3A_317 = tpu.memref_slice %arg2[%mul3A_310, %dma_wait3A_316] : memref<8192x512xf32, #tpu.memory_space<hbm>> -> memref<16x512xf32, #tpu.memory_space<hbm>>
          %dma_wait3A_318 = tpu.memref_slice %run_scoped3A_16[%rem3A_312] : memref<2x!tpu.dma_semaphore, #tpu.memory_space<semaphore_mem>> -> memref<1x!tpu.dma_semaphore, #tpu.memory_space<semaphore_mem>>
          %dma_wait3A_319 = tpu.memref_squeeze %dma_wait3A_318 : memref<1x!tpu.dma_semaphore, #tpu.memory_space<semaphore_mem>> -> memref<!tpu.dma_semaphore, #tpu.memory_space<semaphore_mem>>
          %dma_wait3A_320 = arith.constant 0 : i32
          %dma_wait3A_321 = arith.constant 0 : i32
          %dma_wait3A_322 = tpu.memref_slice %run_scoped3A[%rem3A_312, %dma_wait3A_320, %dma_wait3A_321] : memref<2x16x512xf32, #tpu.memory_space<vmem>> -> memref<1x16x512xf32, #tpu.memory_space<vmem>>
          %dma_wait3A_323 = tpu.memref_squeeze %dma_wait3A_322 : memref<1x16x512xf32, #tpu.memory_space<vmem>> -> memref<16x512xf32, #tpu.memory_space<vmem>>
          %dma_wait3A_324 = arith.constant 0 : i32
          %dma_wait3A_325 = tpu.memref_slice %arg2[%mul3A_310, %dma_wait3A_324] : memref<8192x512xf32, #tpu.memory_space<hbm>> -> memref<16x512xf32, #tpu.memory_space<hbm>>
          tpu.wait_dma2 semaphore(%dma_wait3A_319 : memref<!tpu.dma_semaphore, #tpu.memory_space<semaphore_mem>>) src(%dma_wait3A_325 : memref<16x512xf32, #tpu.memory_space<hbm>>) dst(%dma_wait3A_323 : memref<16x512xf32, #tpu.memory_space<vmem>>)
          "tpu.trace_stop"() : () -> ()
        } else {
        }
        %ne3A_213 = arith.cmpi ne, %add3A_147, %add3A_156 : i32
        %or3A_214 = arith.constant false
        %or3A_215 = arith.ori %or3A_214, %ne3A_213 : i1
        %or3A_216 = arith.constant false
        %or3A_217 = arith.ori %or3A_215, %or3A_216 : i1
        %or3A_218 = arith.ori %or3A_217, %eq3A_144 : i1
        %convert_element_type3A_219 = arith.extui %or3A_218 : i1 to i32
        %cond3A_220 = arith.constant 0 : i32
        %cond3A_221 = arith.cmpi ne, %convert_element_type3A_219, %cond3A_220 : i32
        scf.if %cond3A_221 {
          "tpu.trace_start"() <{level = 10 : i32, message = "ep_wait_in"}> : () -> ()
          %mul3A_309 = arith.constant 16 : i32
          %mul3A_310 = arith.muli %mul3A_309, %add3A_147 : i32
          %rem3A_311 = arith.constant 2 : i32
          %rem3A_312 = arith.remui %scan3A_141, %rem3A_311 : i32
          %dma_wait3A = arith.constant 0 : i32
          %dma_wait3A_313 = arith.constant 0 : i32
          %dma_wait3A_314 = tpu.memref_slice %run_scoped3A_17[%rem3A_312, %dma_wait3A, %dma_wait3A_313] : memref<2x16x512xi32, #tpu.memory_space<vmem>> -> memref<1x16x512xi32, #tpu.memory_space<vmem>>
          %dma_wait3A_315 = tpu.memref_squeeze %dma_wait3A_314 : memref<1x16x512xi32, #tpu.memory_space<vmem>> -> memref<16x512xi32, #tpu.memory_space<vmem>>
          %dma_wait3A_316 = arith.constant 0 : i32
          %dma_wait3A_317 = tpu.memref_slice %arg3[%mul3A_310, %dma_wait3A_316] : memref<8192x512xi32, #tpu.memory_space<hbm>> -> memref<16x512xi32, #tpu.memory_space<hbm>>
          %dma_wait3A_318 = tpu.memref_slice %run_scoped3A_18[%rem3A_312] : memref<2x!tpu.dma_semaphore, #tpu.memory_space<semaphore_mem>> -> memref<1x!tpu.dma_semaphore, #tpu.memory_space<semaphore_mem>>
          %dma_wait3A_319 = tpu.memref_squeeze %dma_wait3A_318 : memref<1x!tpu.dma_semaphore, #tpu.memory_space<semaphore_mem>> -> memref<!tpu.dma_semaphore, #tpu.memory_space<semaphore_mem>>
          %dma_wait3A_320 = arith.constant 0 : i32
          %dma_wait3A_321 = arith.constant 0 : i32
          %dma_wait3A_322 = tpu.memref_slice %run_scoped3A_17[%rem3A_312, %dma_wait3A_320, %dma_wait3A_321] : memref<2x16x512xi32, #tpu.memory_space<vmem>> -> memref<1x16x512xi32, #tpu.memory_space<vmem>>
          %dma_wait3A_323 = tpu.memref_squeeze %dma_wait3A_322 : memref<1x16x512xi32, #tpu.memory_space<vmem>> -> memref<16x512xi32, #tpu.memory_space<vmem>>
          %dma_wait3A_324 = arith.constant 0 : i32
          %dma_wait3A_325 = tpu.memref_slice %arg3[%mul3A_310, %dma_wait3A_324] : memref<8192x512xi32, #tpu.memory_space<hbm>> -> memref<16x512xi32, #tpu.memory_space<hbm>>
          tpu.wait_dma2 semaphore(%dma_wait3A_319 : memref<!tpu.dma_semaphore, #tpu.memory_space<semaphore_mem>>) src(%dma_wait3A_325 : memref<16x512xi32, #tpu.memory_space<hbm>>) dst(%dma_wait3A_323 : memref<16x512xi32, #tpu.memory_space<vmem>>)
          "tpu.trace_stop"() : () -> ()
        } else {
        }
        %rem3A_222 = arith.constant 2 : i32
        %rem3A_223 = arith.remui %scan3A_139, %rem3A_222 : i32
        %rem3A_224 = arith.constant 2 : i32
        %rem3A_225 = arith.remui %scan3A_141, %rem3A_224 : i32
        %broadcast_in_dim3A_226 = arith.constant 0.000000e+00 : f32
        "tpu.trace_start"() <{level = 10 : i32, message = "ep_run_kernel"}> : () -> ()
        %broadcast_in_dim3A_227 = vector.broadcast %broadcast_in_dim3A_226 : f32 to vector<16xf32>
        %parallel_loop3A_228 = arith.constant 0 : i32
        %parallel_loop3A_229 = arith.constant 8192 : i32
        %parallel_loop3A_230 = arith.constant 16 : i32
        %parallel_loop3A_231 = scf.for %parallel_loop3A_309 = %parallel_loop3A_228 to %parallel_loop3A_229 step %parallel_loop3A_230 iter_args(%parallel_loop3A_310 = %broadcast_in_dim3A_227) -> (vector<16xf32>)  : i32 {
          %parallel_loop3A_311 = arith.constant 9 : i32
          %parallel_loop3A_312 = arith.shrsi %parallel_loop3A_309, %parallel_loop3A_311 : i32
          %parallel_loop3A_313 = arith.constant 511 : i32
          %parallel_loop3A_314 = arith.andi %parallel_loop3A_309, %parallel_loop3A_313 : i32
          %parallel_loop3A_315 = arith.constant 0 : i32
          %parallel_loop3A_316 = arith.constant 0 : i32
          %parallel_loop3A_317 = tpu.memref_slice %run_scoped3A[%rem3A_223, %parallel_loop3A_315, %parallel_loop3A_316] : memref<2x16x512xf32, #tpu.memory_space<vmem>> -> memref<1x16x512xf32, #tpu.memory_space<vmem>>
          %parallel_loop3A_318 = tpu.memref_squeeze %parallel_loop3A_317 : memref<1x16x512xf32, #tpu.memory_space<vmem>> -> memref<16x512xf32, #tpu.memory_space<vmem>>
          %parallel_loop3A_319 = arith.index_cast %parallel_loop3A_312 : i32 to index
          %parallel_loop3A_320 = arith.index_cast %parallel_loop3A_314 : i32 to index
          %parallel_loop3A_321 = tpu.vector_load %parallel_loop3A_318[%parallel_loop3A_319, %parallel_loop3A_320] {strides = array<i32>} : memref<16x512xf32, #tpu.memory_space<vmem>>, vector<16xf32>,
          %parallel_loop3A_322 = arith.constant 0 : i32
          %parallel_loop3A_323 = arith.constant 0 : i32
          %parallel_loop3A_324 = tpu.memref_slice %run_scoped3A_17[%rem3A_225, %parallel_loop3A_322, %parallel_loop3A_323] : memref<2x16x512xi32, #tpu.memory_space<vmem>> -> memref<1x16x512xi32, #tpu.memory_space<vmem>>
          %parallel_loop3A_325 = tpu.memref_squeeze %parallel_loop3A_324 : memref<1x16x512xi32, #tpu.memory_space<vmem>> -> memref<16x512xi32, #tpu.memory_space<vmem>>
          %parallel_loop3A_326 = arith.index_cast %parallel_loop3A_312 : i32 to index
          %parallel_loop3A_327 = arith.index_cast %parallel_loop3A_314 : i32 to index
          %parallel_loop3A_328 = tpu.vector_load %parallel_loop3A_325[%parallel_loop3A_326, %parallel_loop3A_327] {strides = array<i32>} : memref<16x512xi32, #tpu.memory_space<vmem>>, vector<16xi32>,
          %parallel_loop3A_329 = arith.sitofp %parallel_loop3A_328 : vector<16xi32> to vector<16xf32>
          %parallel_loop3A_330 = arith.addf %parallel_loop3A_329, %parallel_loop3A_329 : vector<16xf32>
          %parallel_loop3A_331 = arith.constant 1.000000e+00 : f32
          %parallel_loop3A_332 = vector.broadcast %parallel_loop3A_331 : f32 to vector<16xf32>
          %parallel_loop3A_333 = arith.subf %parallel_loop3A_330, %parallel_loop3A_332 : vector<16xf32>
          %parallel_loop3A_334 = arith.mulf %parallel_loop3A_321, %parallel_loop3A_333 : vector<16xf32>
          %parallel_loop3A_335 = arith.constant 1.000000e+00 : f32
          %parallel_loop3A_336 = vector.broadcast %parallel_loop3A_335 : f32 to vector<16xf32>
          %parallel_loop3A_337 = arith.subf %parallel_loop3A_336, %parallel_loop3A_334 : vector<16xf32>
          %parallel_loop3A_338 = arith.constant 0.000000e+00 : f32
          %parallel_loop3A_339 = vector.broadcast %parallel_loop3A_338 : f32 to vector<16xf32>
          %parallel_loop3A_340 = arith.maximumf %parallel_loop3A_337, %parallel_loop3A_339 : vector<16xf32>
          %parallel_loop3A_341 = arith.constant 1.600000e+01 : f32
          %parallel_loop3A_342 = vector.broadcast %parallel_loop3A_341 : f32 to vector<16xf32>
          %parallel_loop3A_343 = arith.minimumf %parallel_loop3A_340, %parallel_loop3A_342 : vector<16xf32>
          %parallel_loop3A_344 = arith.constant 5.115000e+02 : f32
          %parallel_loop3A_345 = vector.broadcast %parallel_loop3A_344 : f32 to vector<16xf32>
          %parallel_loop3A_346 = arith.mulf %parallel_loop3A_343, %parallel_loop3A_345 : vector<16xf32>
          %parallel_loop3A_347 = arith.constant 8.192000e+03 : f32
          %parallel_loop3A_348 = vector.broadcast %parallel_loop3A_347 : f32 to vector<16xf32>
          %parallel_loop3A_349 = arith.mulf %parallel_loop3A_329, %parallel_loop3A_348 : vector<16xf32>
          %parallel_loop3A_350 = arith.constant 1.000000e+00 : f32
          %parallel_loop3A_351 = vector.broadcast %parallel_loop3A_350 : f32 to vector<16xf32>
          %parallel_loop3A_352 = arith.addf %parallel_loop3A_349, %parallel_loop3A_351 : vector<16xf32>
          %parallel_loop3A_353 = arith.addf %parallel_loop3A_346, %parallel_loop3A_352 : vector<16xf32>
          %parallel_loop3A_354 = arith.fptosi %parallel_loop3A_353 : vector<16xf32> to vector<16xi32>
          tpu.vector_store_idx %arg7[%parallel_loop3A_354], %broadcast_in_dim3A_1 {add = true} : memref<16384xf32, #tpu.memory_space<vmem>>[vector<16xi32>], vector<16xf32>,
          tpu.vector_store_idx %arg8[%parallel_loop3A_354], %parallel_loop3A_340 {add = true} : memref<16384xf32, #tpu.memory_space<vmem>>[vector<16xi32>], vector<16xf32>,
          %parallel_loop3A_355 = arith.maximumf %parallel_loop3A_310, %parallel_loop3A_340 : vector<16xf32>
          scf.yield %parallel_loop3A_355 : vector<16xf32>
        } {sc.loop_unroll_factor = 8 : i64, sc.parallel_access}
        %get3A = arith.constant 0 : index
        %get3A_232 = tpu.vector_load %arg9[%get3A] {strides = array<i32>} : memref<16xf32, #tpu.memory_space<vmem>>, vector<16xf32>,
        %max3A = arith.maximumf %get3A_232, %parallel_loop3A_231 : vector<16xf32>
        %swap3A_233 = arith.constant 0 : index
        %swap3A_234 = tpu.vector_load %arg9[%swap3A_233] {strides = array<i32>} : memref<16xf32, #tpu.memory_space<vmem>>, vector<16xf32>,
        tpu.vector_store %arg9[%swap3A_233], %max3A {strides = array<i32>} : memref<16xf32, #tpu.memory_space<vmem>>, vector<16xf32>,
        "tpu.trace_stop"() : () -> ()
        %ne3A_235 = arith.cmpi ne, %add3A_147, %add3A_165 : i32
        %or3A_236 = arith.constant false
        %or3A_237 = arith.ori %or3A_236, %ne3A_235 : i1
        %or3A_238 = arith.constant false
        %or3A_239 = arith.ori %or3A_237, %or3A_238 : i1
        %or3A_240 = arith.ori %or3A_239, %eq3A_146 : i1
        %convert_element_type3A_241 = arith.extui %or3A_240 : i1 to i32
        %cond3A_242 = arith.constant 0 : i32
        %cond3A_243 = arith.cmpi ne, %convert_element_type3A_241, %cond3A_242 : i32
        scf.if %cond3A_243 {
        } else {
        }
        %and3A_244 = arith.constant false
        %and3A_245 = arith.andi %or3A_240, %and3A_244 : i1
        %ne3A_246 = arith.cmpi ne, %add3A_147, %add3A_165 : i32
        %or3A_247 = arith.constant false
        %or3A_248 = arith.ori %or3A_247, %ne3A_246 : i1
        %or3A_249 = arith.constant false
        %or3A_250 = arith.ori %or3A_248, %or3A_249 : i1
        %or3A_251 = arith.ori %or3A_250, %eq3A_146 : i1
        %convert_element_type3A_252 = arith.extui %or3A_251 : i1 to i32
        %cond3A_253 = arith.constant 0 : i32
        %cond3A_254 = arith.cmpi ne, %convert_element_type3A_252, %cond3A_253 : i32
        scf.if %cond3A_254 {
        } else {
        }
        %and3A_255 = arith.constant false
        %and3A_256 = arith.andi %or3A_251, %and3A_255 : i1
        %ne3A_257 = arith.cmpi ne, %add3A_147, %add3A_156 : i32
        %or3A_258 = arith.constant false
        %or3A_259 = arith.ori %or3A_258, %ne3A_257 : i1
        %or3A_260 = arith.constant false
        %or3A_261 = arith.ori %or3A_259, %or3A_260 : i1
        %not3A_262 = arith.constant true
        %not3A_263 = arith.xori %eq3A_144, %not3A_262 : i1
        %and3A_264 = arith.andi %or3A_261, %not3A_263 : i1
        %convert_element_type3A_265 = arith.extui %and3A_264 : i1 to i32
        %cond3A_266 = arith.constant 0 : i32
        %cond3A_267 = arith.cmpi ne, %convert_element_type3A_265, %cond3A_266 : i32
        scf.if %cond3A_267 {
        } else {
        }
        %and3A_268 = arith.constant false
        %and3A_269 = arith.andi %and3A_264, %and3A_268 : i1
        %ne3A_270 = arith.cmpi ne, %add3A_147, %add3A_156 : i32
        %or3A_271 = arith.constant false
        %or3A_272 = arith.ori %or3A_271, %ne3A_270 : i1
        %or3A_273 = arith.constant false
        %or3A_274 = arith.ori %or3A_272, %or3A_273 : i1
        %not3A_275 = arith.constant true
        %not3A_276 = arith.xori %eq3A_144, %not3A_275 : i1
        %and3A_277 = arith.andi %or3A_274, %not3A_276 : i1
        %convert_element_type3A_278 = arith.extui %and3A_277 : i1 to i32
        %cond3A_279 = arith.constant 0 : i32
        %cond3A_280 = arith.cmpi ne, %convert_element_type3A_278, %cond3A_279 : i32
        scf.if %cond3A_280 {
        } else {
        }
        %and3A_281 = arith.constant false
        %and3A_282 = arith.andi %and3A_277, %and3A_281 : i1
        %ne3A_283 = arith.cmpi ne, %add3A_147, %add3A_165 : i32
        %or3A_284 = arith.constant false
        %or3A_285 = arith.ori %or3A_284, %ne3A_283 : i1
        %or3A_286 = arith.constant false
        %or3A_287 = arith.ori %or3A_285, %or3A_286 : i1
        %or3A_288 = arith.ori %or3A_287, %eq3A_146 : i1
        %add3A_289 = arith.constant 1 : i32
        %add3A_290 = arith.addi %scan3A_139, %add3A_289 : i32
        %select_n3A_291 = arith.select %or3A_288, %add3A_290, %scan3A_139 : i32
        %ne3A_292 = arith.cmpi ne, %add3A_147, %add3A_165 : i32
        %or3A_293 = arith.constant false
        %or3A_294 = arith.ori %or3A_293, %ne3A_292 : i1
        %or3A_295 = arith.constant false
        %or3A_296 = arith.ori %or3A_294, %or3A_295 : i1
        %or3A_297 = arith.ori %or3A_296, %eq3A_146 : i1
        %add3A_298 = arith.constant 1 : i32
        %add3A_299 = arith.addi %scan3A_141, %add3A_298 : i32
        %select_n3A_300 = arith.select %or3A_297, %add3A_299, %scan3A_141 : i32
        %add3A_301 = arith.constant 1 : i32
        %add3A_302 = arith.addi %scan3A_142, %add3A_301 : i32
        %select_n3A_303 = arith.constant true
        %select_n3A_304 = arith.select %select_n3A_303, %add3A_302, %scan3A_142 : i32
        %eq3A_305 = arith.constant 16 : i32
        %eq3A_306 = arith.cmpi eq, %select_n3A_304, %eq3A_305 : i32
        %select_n3A_307 = arith.constant 0 : i32
        %select_n3A_308 = arith.select %eq3A_306, %select_n3A_307, %select_n3A_304 : i32
        scf.yield %select_n3A_185, %select_n3A_291, %select_n3A_203, %select_n3A_300, %select_n3A_308 : i32, i32, i32, i32, i32
      }
      %scan3A_101 = arith.constant 16 : i32
      %sub3A = arith.constant 1 : i32
      %sub3A_102 = arith.subi %scan3A_100#4, %sub3A : i32
      %select_n3A_103 = arith.constant true
      %select_n3A_104 = arith.select %select_n3A_103, %sub3A_102, %scan3A_100#4 : i32
      %eq3A_105 = arith.constant -1 : i32
      %eq3A_106 = arith.cmpi eq, %select_n3A_104, %eq3A_105 : i32
      %select_n3A_107 = arith.constant 15 : i32
      %select_n3A_108 = arith.select %eq3A_106, %select_n3A_107, %select_n3A_104 : i32
      %add3A_109 = arith.addi %select_n3A_108, %mul3A_15 : i32
      %sub3A_110 = arith.constant 1 : i32
      %sub3A_111 = arith.subi %select_n3A_108, %sub3A_110 : i32
      %select_n3A_112 = arith.constant true
      %select_n3A_113 = arith.select %select_n3A_112, %sub3A_111, %select_n3A_108 : i32
      %eq3A_114 = arith.constant -1 : i32
      %eq3A_115 = arith.cmpi eq, %select_n3A_113, %eq3A_114 : i32
      %select_n3A_116 = arith.constant 15 : i32
      %select_n3A_117 = arith.select %eq3A_115, %select_n3A_116, %select_n3A_113 : i32
      %add3A_118 = arith.addi %select_n3A_117, %mul3A_15 : i32
      %add3A_119 = arith.constant 1 : i32
      %add3A_120 = arith.addi %select_n3A_108, %add3A_119 : i32
      %select_n3A_121 = arith.constant true
      %select_n3A_122 = arith.select %select_n3A_121, %add3A_120, %select_n3A_108 : i32
      %eq3A_123 = arith.constant 16 : i32
      %eq3A_124 = arith.cmpi eq, %select_n3A_122, %eq3A_123 : i32
      %select_n3A_125 = arith.constant 0 : i32
      %select_n3A_126 = arith.select %eq3A_124, %select_n3A_125, %select_n3A_122 : i32
      %add3A_127 = arith.addi %select_n3A_126, %mul3A_15 : i32
      %add3A_128 = arith.constant 1 : i32
      %add3A_129 = arith.addi %select_n3A_126, %add3A_128 : i32
      %select_n3A_130 = arith.constant true
      %select_n3A_131 = arith.select %select_n3A_130, %add3A_129, %select_n3A_126 : i32
      %eq3A_132 = arith.constant 16 : i32
      %eq3A_133 = arith.cmpi eq, %select_n3A_131, %eq3A_132 : i32
      %select_n3A_134 = arith.constant 0 : i32
      %select_n3A_135 = arith.select %eq3A_133, %select_n3A_134, %select_n3A_131 : i32
      %add3A_136 = arith.addi %select_n3A_135, %mul3A_15 : i32
      tpu.yield
    }) : () -> ()
    "tpu.region"() ({
      %run_scoped3A = tpu.sem_alloc : memref<!tpu.dma_semaphore, #tpu.memory_space<semaphore_mem>>
      %dma_start3A = arith.constant 0 : i32
      %dma_start3A_16 = tpu.memref_slice %arg4[%add3A, %dma_start3A] : memref<32x16384xf32, #tpu.memory_space<hbm>> -> memref<1x16384xf32, #tpu.memory_space<hbm>>
      %dma_start3A_17 = tpu.memref_squeeze %dma_start3A_16 : memref<1x16384xf32, #tpu.memory_space<hbm>> -> memref<16384xf32, #tpu.memory_space<hbm>>
      %dma_start3A_18 = arith.constant 0 : i32
      %dma_start3A_19 = tpu.memref_slice %arg4[%add3A, %dma_start3A_18] : memref<32x16384xf32, #tpu.memory_space<hbm>> -> memref<1x16384xf32, #tpu.memory_space<hbm>>
      %dma_start3A_20 = tpu.memref_squeeze %dma_start3A_19 : memref<1x16384xf32, #tpu.memory_space<hbm>> -> memref<16384xf32, #tpu.memory_space<hbm>>
      tpu.enqueue_dma source(%arg7 : memref<16384xf32, #tpu.memory_space<vmem>>) target(%dma_start3A_20 : memref<16384xf32, #tpu.memory_space<hbm>>) target_semaphore(%run_scoped3A : memref<!tpu.dma_semaphore, #tpu.memory_space<semaphore_mem>>)
      %dma_wait3A = arith.constant 0 : i32
      %dma_wait3A_21 = tpu.memref_slice %arg4[%add3A, %dma_wait3A] : memref<32x16384xf32, #tpu.memory_space<hbm>> -> memref<1x16384xf32, #tpu.memory_space<hbm>>
      %dma_wait3A_22 = tpu.memref_squeeze %dma_wait3A_21 : memref<1x16384xf32, #tpu.memory_space<hbm>> -> memref<16384xf32, #tpu.memory_space<hbm>>
      %dma_wait3A_23 = arith.constant 0 : i32
      %dma_wait3A_24 = tpu.memref_slice %arg4[%add3A, %dma_wait3A_23] : memref<32x16384xf32, #tpu.memory_space<hbm>> -> memref<1x16384xf32, #tpu.memory_space<hbm>>
      %dma_wait3A_25 = tpu.memref_squeeze %dma_wait3A_24 : memref<1x16384xf32, #tpu.memory_space<hbm>> -> memref<16384xf32, #tpu.memory_space<hbm>>
      tpu.wait_dma2 semaphore(%run_scoped3A : memref<!tpu.dma_semaphore, #tpu.memory_space<semaphore_mem>>) src(%arg7 : memref<16384xf32, #tpu.memory_space<vmem>>) dst(%dma_wait3A_25 : memref<16384xf32, #tpu.memory_space<hbm>>)
      tpu.yield
    }) : () -> ()
    "tpu.region"() ({
      %run_scoped3A = tpu.sem_alloc : memref<!tpu.dma_semaphore, #tpu.memory_space<semaphore_mem>>
      %dma_start3A = arith.constant 0 : i32
      %dma_start3A_16 = tpu.memref_slice %arg5[%add3A, %dma_start3A] : memref<32x16384xf32, #tpu.memory_space<hbm>> -> memref<1x16384xf32, #tpu.memory_space<hbm>>
      %dma_start3A_17 = tpu.memref_squeeze %dma_start3A_16 : memref<1x16384xf32, #tpu.memory_space<hbm>> -> memref<16384xf32, #tpu.memory_space<hbm>>
      %dma_start3A_18 = arith.constant 0 : i32
      %dma_start3A_19 = tpu.memref_slice %arg5[%add3A, %dma_start3A_18] : memref<32x16384xf32, #tpu.memory_space<hbm>> -> memref<1x16384xf32, #tpu.memory_space<hbm>>
      %dma_start3A_20 = tpu.memref_squeeze %dma_start3A_19 : memref<1x16384xf32, #tpu.memory_space<hbm>> -> memref<16384xf32, #tpu.memory_space<hbm>>
      tpu.enqueue_dma source(%arg8 : memref<16384xf32, #tpu.memory_space<vmem>>) target(%dma_start3A_20 : memref<16384xf32, #tpu.memory_space<hbm>>) target_semaphore(%run_scoped3A : memref<!tpu.dma_semaphore, #tpu.memory_space<semaphore_mem>>)
      %dma_wait3A = arith.constant 0 : i32
      %dma_wait3A_21 = tpu.memref_slice %arg5[%add3A, %dma_wait3A] : memref<32x16384xf32, #tpu.memory_space<hbm>> -> memref<1x16384xf32, #tpu.memory_space<hbm>>
      %dma_wait3A_22 = tpu.memref_squeeze %dma_wait3A_21 : memref<1x16384xf32, #tpu.memory_space<hbm>> -> memref<16384xf32, #tpu.memory_space<hbm>>
      %dma_wait3A_23 = arith.constant 0 : i32
      %dma_wait3A_24 = tpu.memref_slice %arg5[%add3A, %dma_wait3A_23] : memref<32x16384xf32, #tpu.memory_space<hbm>> -> memref<1x16384xf32, #tpu.memory_space<hbm>>
      %dma_wait3A_25 = tpu.memref_squeeze %dma_wait3A_24 : memref<1x16384xf32, #tpu.memory_space<hbm>> -> memref<16384xf32, #tpu.memory_space<hbm>>
      tpu.wait_dma2 semaphore(%run_scoped3A : memref<!tpu.dma_semaphore, #tpu.memory_space<semaphore_mem>>) src(%arg8 : memref<16384xf32, #tpu.memory_space<vmem>>) dst(%dma_wait3A_25 : memref<16384xf32, #tpu.memory_space<hbm>>)
      tpu.yield
    }) : () -> ()
    "tpu.region"() ({
      %run_scoped3A = tpu.sem_alloc : memref<!tpu.dma_semaphore, #tpu.memory_space<semaphore_mem>>
      %dma_start3A = arith.constant 0 : i32
      %dma_start3A_16 = tpu.memref_slice %arg6[%add3A, %dma_start3A] : memref<32x16xf32, #tpu.memory_space<hbm>> -> memref<1x16xf32, #tpu.memory_space<hbm>>
      %dma_start3A_17 = tpu.memref_squeeze %dma_start3A_16 : memref<1x16xf32, #tpu.memory_space<hbm>> -> memref<16xf32, #tpu.memory_space<hbm>>
      %dma_start3A_18 = arith.constant 0 : i32
      %dma_start3A_19 = tpu.memref_slice %arg6[%add3A, %dma_start3A_18] : memref<32x16xf32, #tpu.memory_space<hbm>> -> memref<1x16xf32, #tpu.memory_space<hbm>>
      %dma_start3A_20 = tpu.memref_squeeze %dma_start3A_19 : memref<1x16xf32, #tpu.memory_space<hbm>> -> memref<16xf32, #tpu.memory_space<hbm>>
      tpu.enqueue_dma source(%arg9 : memref<16xf32, #tpu.memory_space<vmem>>) target(%dma_start3A_20 : memref<16xf32, #tpu.memory_space<hbm>>) target_semaphore(%run_scoped3A : memref<!tpu.dma_semaphore, #tpu.memory_space<semaphore_mem>>)
      %dma_wait3A = arith.constant 0 : i32
      %dma_wait3A_21 = tpu.memref_slice %arg6[%add3A, %dma_wait3A] : memref<32x16xf32, #tpu.memory_space<hbm>> -> memref<1x16xf32, #tpu.memory_space<hbm>>
      %dma_wait3A_22 = tpu.memref_squeeze %dma_wait3A_21 : memref<1x16xf32, #tpu.memory_space<hbm>> -> memref<16xf32, #tpu.memory_space<hbm>>
      %dma_wait3A_23 = arith.constant 0 : i32
      %dma_wait3A_24 = tpu.memref_slice %arg6[%add3A, %dma_wait3A_23] : memref<32x16xf32, #tpu.memory_space<hbm>> -> memref<1x16xf32, #tpu.memory_space<hbm>>
      %dma_wait3A_25 = tpu.memref_squeeze %dma_wait3A_24 : memref<1x16xf32, #tpu.memory_space<hbm>> -> memref<16xf32, #tpu.memory_space<hbm>>
      tpu.wait_dma2 semaphore(%run_scoped3A : memref<!tpu.dma_semaphore, #tpu.memory_space<semaphore_mem>>) src(%arg9 : memref<16xf32, #tpu.memory_space<vmem>>) dst(%dma_wait3A_25 : memref<16xf32, #tpu.memory_space<hbm>>)
      tpu.yield
    }) : () -> ()
    return
  }
}

module attributes {stable_mosaic.version = 14 : i64} {
  func.func @_tc_finish_kernel(%arg0: memref<32x128x128xf32, #tpu.memory_space<vmem>>, %arg1: memref<32x128x128xf32, #tpu.memory_space<vmem>>, %arg2: memref<32x16xf32, #tpu.memory_space<vmem>>, %arg3: memref<1x1xf32, #tpu.memory_space<vmem>>) attributes {dimension_semantics = [], scalar_prefetch = 0 : i64, scratch_operands = 0 : i64, tpu.core_type = #tpu.core_type<tc>} {
    %get3A = arith.constant 0 : index
    %get3A_0 = arith.constant 0 : index
    %get3A_1 = arith.constant 0 : index
    %get3A_2 = vector.load %arg0[%get3A, %get3A_0, %get3A_1] : memref<32x128x128xf32, #tpu.memory_space<vmem>>, vector<32x128x128xf32>
    %reduce_sum3A = arith.constant dense<0.000000e+00> : vector<128x128xf32>
    %reduce_sum3A_3 = vector.multi_reduction <add>, %get3A_2, %reduce_sum3A [0] : vector<32x128x128xf32> to vector<128x128xf32>
    %get3A_4 = arith.constant 0 : index
    %get3A_5 = arith.constant 0 : index
    %get3A_6 = arith.constant 0 : index
    %get3A_7 = vector.load %arg1[%get3A_4, %get3A_5, %get3A_6] : memref<32x128x128xf32, #tpu.memory_space<vmem>>, vector<32x128x128xf32>
    %reduce_sum3A_8 = arith.constant dense<0.000000e+00> : vector<128x128xf32>
    %reduce_sum3A_9 = vector.multi_reduction <add>, %get3A_7, %reduce_sum3A_8 [0] : vector<32x128x128xf32> to vector<128x128xf32>
    %slice3A = vector.extract_strided_slice %reduce_sum3A_3 {offsets = [0, 0], sizes = [64, 128], strides = [1, 1]} : vector<128x128xf32> to vector<64x128xf32>
    %slice3A_10 = vector.extract_strided_slice %reduce_sum3A_3 {offsets = [64, 0], sizes = [64, 128], strides = [1, 1]} : vector<128x128xf32> to vector<64x128xf32>
    %slice3A_11 = vector.extract_strided_slice %reduce_sum3A_9 {offsets = [0, 0], sizes = [64, 128], strides = [1, 1]} : vector<128x128xf32> to vector<64x128xf32>
    %slice3A_12 = vector.extract_strided_slice %reduce_sum3A_9 {offsets = [64, 0], sizes = [64, 128], strides = [1, 1]} : vector<128x128xf32> to vector<64x128xf32>
    %jit3A = arith.constant 0 : i32
    %convert_element_type3A = arith.sitofp %jit3A : i32 to f32
    %pad3A = vector.broadcast %convert_element_type3A : f32 to vector<64x1xf32>
    %pad3A_13 = tpu.concatenate %pad3A, %slice3A in 1 : vector<64x1xf32>, vector<64x128xf32> -> vector<64x129xf32>
    %slice3A_14 = vector.extract_strided_slice %pad3A_13 {offsets = [0, 0], sizes = [64, 128], strides = [1, 1]} : vector<64x129xf32> to vector<64x128xf32>
    %add3A = arith.addf %slice3A, %slice3A_14 : vector<64x128xf32>
    %jit3A_15 = arith.constant 0 : i32
    %convert_element_type3A_16 = arith.sitofp %jit3A_15 : i32 to f32
    %pad3A_17 = vector.broadcast %convert_element_type3A_16 : f32 to vector<64x2xf32>
    %pad3A_18 = tpu.concatenate %pad3A_17, %add3A in 1 : vector<64x2xf32>, vector<64x128xf32> -> vector<64x130xf32>
    %slice3A_19 = vector.extract_strided_slice %pad3A_18 {offsets = [0, 0], sizes = [64, 128], strides = [1, 1]} : vector<64x130xf32> to vector<64x128xf32>
    %add3A_20 = arith.addf %add3A, %slice3A_19 : vector<64x128xf32>
    %jit3A_21 = arith.constant 0 : i32
    %convert_element_type3A_22 = arith.sitofp %jit3A_21 : i32 to f32
    %pad3A_23 = vector.broadcast %convert_element_type3A_22 : f32 to vector<64x4xf32>
    %pad3A_24 = tpu.concatenate %pad3A_23, %add3A_20 in 1 : vector<64x4xf32>, vector<64x128xf32> -> vector<64x132xf32>
    %slice3A_25 = vector.extract_strided_slice %pad3A_24 {offsets = [0, 0], sizes = [64, 128], strides = [1, 1]} : vector<64x132xf32> to vector<64x128xf32>
    %add3A_26 = arith.addf %add3A_20, %slice3A_25 : vector<64x128xf32>
    %jit3A_27 = arith.constant 0 : i32
    %convert_element_type3A_28 = arith.sitofp %jit3A_27 : i32 to f32
    %pad3A_29 = vector.broadcast %convert_element_type3A_28 : f32 to vector<64x8xf32>
    %pad3A_30 = tpu.concatenate %pad3A_29, %add3A_26 in 1 : vector<64x8xf32>, vector<64x128xf32> -> vector<64x136xf32>
    %slice3A_31 = vector.extract_strided_slice %pad3A_30 {offsets = [0, 0], sizes = [64, 128], strides = [1, 1]} : vector<64x136xf32> to vector<64x128xf32>
    %add3A_32 = arith.addf %add3A_26, %slice3A_31 : vector<64x128xf32>
    %jit3A_33 = arith.constant 0 : i32
    %convert_element_type3A_34 = arith.sitofp %jit3A_33 : i32 to f32
    %pad3A_35 = vector.broadcast %convert_element_type3A_34 : f32 to vector<64x16xf32>
    %pad3A_36 = tpu.concatenate %pad3A_35, %add3A_32 in 1 : vector<64x16xf32>, vector<64x128xf32> -> vector<64x144xf32>
    %slice3A_37 = vector.extract_strided_slice %pad3A_36 {offsets = [0, 0], sizes = [64, 128], strides = [1, 1]} : vector<64x144xf32> to vector<64x128xf32>
    %add3A_38 = arith.addf %add3A_32, %slice3A_37 : vector<64x128xf32>
    %jit3A_39 = arith.constant 0 : i32
    %convert_element_type3A_40 = arith.sitofp %jit3A_39 : i32 to f32
    %pad3A_41 = vector.broadcast %convert_element_type3A_40 : f32 to vector<64x32xf32>
    %pad3A_42 = tpu.concatenate %pad3A_41, %add3A_38 in 1 : vector<64x32xf32>, vector<64x128xf32> -> vector<64x160xf32>
    %slice3A_43 = vector.extract_strided_slice %pad3A_42 {offsets = [0, 0], sizes = [64, 128], strides = [1, 1]} : vector<64x160xf32> to vector<64x128xf32>
    %add3A_44 = arith.addf %add3A_38, %slice3A_43 : vector<64x128xf32>
    %jit3A_45 = arith.constant 0 : i32
    %convert_element_type3A_46 = arith.sitofp %jit3A_45 : i32 to f32
    %pad3A_47 = vector.broadcast %convert_element_type3A_46 : f32 to vector<64x64xf32>
    %pad3A_48 = tpu.concatenate %pad3A_47, %add3A_44 in 1 : vector<64x64xf32>, vector<64x128xf32> -> vector<64x192xf32>
    %slice3A_49 = vector.extract_strided_slice %pad3A_48 {offsets = [0, 0], sizes = [64, 128], strides = [1, 1]} : vector<64x192xf32> to vector<64x128xf32>
    %add3A_50 = arith.addf %add3A_44, %slice3A_49 : vector<64x128xf32>
    %slice3A_51 = vector.extract_strided_slice %add3A_50 {offsets = [0, 127], sizes = [64, 1], strides = [1, 1]} : vector<64x128xf32> to vector<64x1xf32>
    %jit3A_52 = arith.constant 0 : i32
    %convert_element_type3A_53 = arith.sitofp %jit3A_52 : i32 to f32
    %pad3A_54 = vector.broadcast %convert_element_type3A_53 : f32 to vector<1x1xf32>
    %pad3A_55 = tpu.concatenate %pad3A_54, %slice3A_51 in 0 : vector<1x1xf32>, vector<64x1xf32> -> vector<65x1xf32>
    %slice3A_56 = vector.extract_strided_slice %pad3A_55 {offsets = [0, 0], sizes = [64, 1], strides = [1, 1]} : vector<65x1xf32> to vector<64x1xf32>
    %add3A_57 = arith.addf %slice3A_51, %slice3A_56 : vector<64x1xf32>
    %jit3A_58 = arith.constant 0 : i32
    %convert_element_type3A_59 = arith.sitofp %jit3A_58 : i32 to f32
    %pad3A_60 = vector.broadcast %convert_element_type3A_59 : f32 to vector<2x1xf32>
    %pad3A_61 = tpu.concatenate %pad3A_60, %add3A_57 in 0 : vector<2x1xf32>, vector<64x1xf32> -> vector<66x1xf32>
    %slice3A_62 = vector.extract_strided_slice %pad3A_61 {offsets = [0, 0], sizes = [64, 1], strides = [1, 1]} : vector<66x1xf32> to vector<64x1xf32>
    %add3A_63 = arith.addf %add3A_57, %slice3A_62 : vector<64x1xf32>
    %jit3A_64 = arith.constant 0 : i32
    %convert_element_type3A_65 = arith.sitofp %jit3A_64 : i32 to f32
    %pad3A_66 = vector.broadcast %convert_element_type3A_65 : f32 to vector<4x1xf32>
    %pad3A_67 = tpu.concatenate %pad3A_66, %add3A_63 in 0 : vector<4x1xf32>, vector<64x1xf32> -> vector<68x1xf32>
    %slice3A_68 = vector.extract_strided_slice %pad3A_67 {offsets = [0, 0], sizes = [64, 1], strides = [1, 1]} : vector<68x1xf32> to vector<64x1xf32>
    %add3A_69 = arith.addf %add3A_63, %slice3A_68 : vector<64x1xf32>
    %jit3A_70 = arith.constant 0 : i32
    %convert_element_type3A_71 = arith.sitofp %jit3A_70 : i32 to f32
    %pad3A_72 = vector.broadcast %convert_element_type3A_71 : f32 to vector<8x1xf32>
    %pad3A_73 = tpu.concatenate %pad3A_72, %add3A_69 in 0 : vector<8x1xf32>, vector<64x1xf32> -> vector<72x1xf32>
    %slice3A_74 = vector.extract_strided_slice %pad3A_73 {offsets = [0, 0], sizes = [64, 1], strides = [1, 1]} : vector<72x1xf32> to vector<64x1xf32>
    %add3A_75 = arith.addf %add3A_69, %slice3A_74 : vector<64x1xf32>
    %jit3A_76 = arith.constant 0 : i32
    %convert_element_type3A_77 = arith.sitofp %jit3A_76 : i32 to f32
    %pad3A_78 = vector.broadcast %convert_element_type3A_77 : f32 to vector<16x1xf32>
    %pad3A_79 = tpu.concatenate %pad3A_78, %add3A_75 in 0 : vector<16x1xf32>, vector<64x1xf32> -> vector<80x1xf32>
    %slice3A_80 = vector.extract_strided_slice %pad3A_79 {offsets = [0, 0], sizes = [64, 1], strides = [1, 1]} : vector<80x1xf32> to vector<64x1xf32>
    %add3A_81 = arith.addf %add3A_75, %slice3A_80 : vector<64x1xf32>
    %jit3A_82 = arith.constant 0 : i32
    %convert_element_type3A_83 = arith.sitofp %jit3A_82 : i32 to f32
    %pad3A_84 = vector.broadcast %convert_element_type3A_83 : f32 to vector<32x1xf32>
    %pad3A_85 = tpu.concatenate %pad3A_84, %add3A_81 in 0 : vector<32x1xf32>, vector<64x1xf32> -> vector<96x1xf32>
    %slice3A_86 = vector.extract_strided_slice %pad3A_85 {offsets = [0, 0], sizes = [64, 1], strides = [1, 1]} : vector<96x1xf32> to vector<64x1xf32>
    %add3A_87 = arith.addf %add3A_81, %slice3A_86 : vector<64x1xf32>
    %sub3A = arith.subf %add3A_87, %slice3A_51 : vector<64x1xf32>
    %add3A_88 = vector.broadcast %sub3A : vector<64x1xf32> to vector<64x128xf32>
    %add3A_89 = arith.addf %add3A_50, %add3A_88 : vector<64x128xf32>
    %jit3A_90 = arith.constant 0 : i32
    %convert_element_type3A_91 = arith.sitofp %jit3A_90 : i32 to f32
    %pad3A_92 = vector.broadcast %convert_element_type3A_91 : f32 to vector<64x1xf32>
    %pad3A_93 = tpu.concatenate %pad3A_92, %slice3A_10 in 1 : vector<64x1xf32>, vector<64x128xf32> -> vector<64x129xf32>
    %slice3A_94 = vector.extract_strided_slice %pad3A_93 {offsets = [0, 0], sizes = [64, 128], strides = [1, 1]} : vector<64x129xf32> to vector<64x128xf32>
    %add3A_95 = arith.addf %slice3A_10, %slice3A_94 : vector<64x128xf32>
    %jit3A_96 = arith.constant 0 : i32
    %convert_element_type3A_97 = arith.sitofp %jit3A_96 : i32 to f32
    %pad3A_98 = vector.broadcast %convert_element_type3A_97 : f32 to vector<64x2xf32>
    %pad3A_99 = tpu.concatenate %pad3A_98, %add3A_95 in 1 : vector<64x2xf32>, vector<64x128xf32> -> vector<64x130xf32>
    %slice3A_100 = vector.extract_strided_slice %pad3A_99 {offsets = [0, 0], sizes = [64, 128], strides = [1, 1]} : vector<64x130xf32> to vector<64x128xf32>
    %add3A_101 = arith.addf %add3A_95, %slice3A_100 : vector<64x128xf32>
    %jit3A_102 = arith.constant 0 : i32
    %convert_element_type3A_103 = arith.sitofp %jit3A_102 : i32 to f32
    %pad3A_104 = vector.broadcast %convert_element_type3A_103 : f32 to vector<64x4xf32>
    %pad3A_105 = tpu.concatenate %pad3A_104, %add3A_101 in 1 : vector<64x4xf32>, vector<64x128xf32> -> vector<64x132xf32>
    %slice3A_106 = vector.extract_strided_slice %pad3A_105 {offsets = [0, 0], sizes = [64, 128], strides = [1, 1]} : vector<64x132xf32> to vector<64x128xf32>
    %add3A_107 = arith.addf %add3A_101, %slice3A_106 : vector<64x128xf32>
    %jit3A_108 = arith.constant 0 : i32
    %convert_element_type3A_109 = arith.sitofp %jit3A_108 : i32 to f32
    %pad3A_110 = vector.broadcast %convert_element_type3A_109 : f32 to vector<64x8xf32>
    %pad3A_111 = tpu.concatenate %pad3A_110, %add3A_107 in 1 : vector<64x8xf32>, vector<64x128xf32> -> vector<64x136xf32>
    %slice3A_112 = vector.extract_strided_slice %pad3A_111 {offsets = [0, 0], sizes = [64, 128], strides = [1, 1]} : vector<64x136xf32> to vector<64x128xf32>
    %add3A_113 = arith.addf %add3A_107, %slice3A_112 : vector<64x128xf32>
    %jit3A_114 = arith.constant 0 : i32
    %convert_element_type3A_115 = arith.sitofp %jit3A_114 : i32 to f32
    %pad3A_116 = vector.broadcast %convert_element_type3A_115 : f32 to vector<64x16xf32>
    %pad3A_117 = tpu.concatenate %pad3A_116, %add3A_113 in 1 : vector<64x16xf32>, vector<64x128xf32> -> vector<64x144xf32>
    %slice3A_118 = vector.extract_strided_slice %pad3A_117 {offsets = [0, 0], sizes = [64, 128], strides = [1, 1]} : vector<64x144xf32> to vector<64x128xf32>
    %add3A_119 = arith.addf %add3A_113, %slice3A_118 : vector<64x128xf32>
    %jit3A_120 = arith.constant 0 : i32
    %convert_element_type3A_121 = arith.sitofp %jit3A_120 : i32 to f32
    %pad3A_122 = vector.broadcast %convert_element_type3A_121 : f32 to vector<64x32xf32>
    %pad3A_123 = tpu.concatenate %pad3A_122, %add3A_119 in 1 : vector<64x32xf32>, vector<64x128xf32> -> vector<64x160xf32>
    %slice3A_124 = vector.extract_strided_slice %pad3A_123 {offsets = [0, 0], sizes = [64, 128], strides = [1, 1]} : vector<64x160xf32> to vector<64x128xf32>
    %add3A_125 = arith.addf %add3A_119, %slice3A_124 : vector<64x128xf32>
    %jit3A_126 = arith.constant 0 : i32
    %convert_element_type3A_127 = arith.sitofp %jit3A_126 : i32 to f32
    %pad3A_128 = vector.broadcast %convert_element_type3A_127 : f32 to vector<64x64xf32>
    %pad3A_129 = tpu.concatenate %pad3A_128, %add3A_125 in 1 : vector<64x64xf32>, vector<64x128xf32> -> vector<64x192xf32>
    %slice3A_130 = vector.extract_strided_slice %pad3A_129 {offsets = [0, 0], sizes = [64, 128], strides = [1, 1]} : vector<64x192xf32> to vector<64x128xf32>
    %add3A_131 = arith.addf %add3A_125, %slice3A_130 : vector<64x128xf32>
    %slice3A_132 = vector.extract_strided_slice %add3A_131 {offsets = [0, 127], sizes = [64, 1], strides = [1, 1]} : vector<64x128xf32> to vector<64x1xf32>
    %jit3A_133 = arith.constant 0 : i32
    %convert_element_type3A_134 = arith.sitofp %jit3A_133 : i32 to f32
    %pad3A_135 = vector.broadcast %convert_element_type3A_134 : f32 to vector<1x1xf32>
    %pad3A_136 = tpu.concatenate %pad3A_135, %slice3A_132 in 0 : vector<1x1xf32>, vector<64x1xf32> -> vector<65x1xf32>
    %slice3A_137 = vector.extract_strided_slice %pad3A_136 {offsets = [0, 0], sizes = [64, 1], strides = [1, 1]} : vector<65x1xf32> to vector<64x1xf32>
    %add3A_138 = arith.addf %slice3A_132, %slice3A_137 : vector<64x1xf32>
    %jit3A_139 = arith.constant 0 : i32
    %convert_element_type3A_140 = arith.sitofp %jit3A_139 : i32 to f32
    %pad3A_141 = vector.broadcast %convert_element_type3A_140 : f32 to vector<2x1xf32>
    %pad3A_142 = tpu.concatenate %pad3A_141, %add3A_138 in 0 : vector<2x1xf32>, vector<64x1xf32> -> vector<66x1xf32>
    %slice3A_143 = vector.extract_strided_slice %pad3A_142 {offsets = [0, 0], sizes = [64, 1], strides = [1, 1]} : vector<66x1xf32> to vector<64x1xf32>
    %add3A_144 = arith.addf %add3A_138, %slice3A_143 : vector<64x1xf32>
    %jit3A_145 = arith.constant 0 : i32
    %convert_element_type3A_146 = arith.sitofp %jit3A_145 : i32 to f32
    %pad3A_147 = vector.broadcast %convert_element_type3A_146 : f32 to vector<4x1xf32>
    %pad3A_148 = tpu.concatenate %pad3A_147, %add3A_144 in 0 : vector<4x1xf32>, vector<64x1xf32> -> vector<68x1xf32>
    %slice3A_149 = vector.extract_strided_slice %pad3A_148 {offsets = [0, 0], sizes = [64, 1], strides = [1, 1]} : vector<68x1xf32> to vector<64x1xf32>
    %add3A_150 = arith.addf %add3A_144, %slice3A_149 : vector<64x1xf32>
    %jit3A_151 = arith.constant 0 : i32
    %convert_element_type3A_152 = arith.sitofp %jit3A_151 : i32 to f32
    %pad3A_153 = vector.broadcast %convert_element_type3A_152 : f32 to vector<8x1xf32>
    %pad3A_154 = tpu.concatenate %pad3A_153, %add3A_150 in 0 : vector<8x1xf32>, vector<64x1xf32> -> vector<72x1xf32>
    %slice3A_155 = vector.extract_strided_slice %pad3A_154 {offsets = [0, 0], sizes = [64, 1], strides = [1, 1]} : vector<72x1xf32> to vector<64x1xf32>
    %add3A_156 = arith.addf %add3A_150, %slice3A_155 : vector<64x1xf32>
    %jit3A_157 = arith.constant 0 : i32
    %convert_element_type3A_158 = arith.sitofp %jit3A_157 : i32 to f32
    %pad3A_159 = vector.broadcast %convert_element_type3A_158 : f32 to vector<16x1xf32>
    %pad3A_160 = tpu.concatenate %pad3A_159, %add3A_156 in 0 : vector<16x1xf32>, vector<64x1xf32> -> vector<80x1xf32>
    %slice3A_161 = vector.extract_strided_slice %pad3A_160 {offsets = [0, 0], sizes = [64, 1], strides = [1, 1]} : vector<80x1xf32> to vector<64x1xf32>
    %add3A_162 = arith.addf %add3A_156, %slice3A_161 : vector<64x1xf32>
    %jit3A_163 = arith.constant 0 : i32
    %convert_element_type3A_164 = arith.sitofp %jit3A_163 : i32 to f32
    %pad3A_165 = vector.broadcast %convert_element_type3A_164 : f32 to vector<32x1xf32>
    %pad3A_166 = tpu.concatenate %pad3A_165, %add3A_162 in 0 : vector<32x1xf32>, vector<64x1xf32> -> vector<96x1xf32>
    %slice3A_167 = vector.extract_strided_slice %pad3A_166 {offsets = [0, 0], sizes = [64, 1], strides = [1, 1]} : vector<96x1xf32> to vector<64x1xf32>
    %add3A_168 = arith.addf %add3A_162, %slice3A_167 : vector<64x1xf32>
    %sub3A_169 = arith.subf %add3A_168, %slice3A_132 : vector<64x1xf32>
    %add3A_170 = vector.broadcast %sub3A_169 : vector<64x1xf32> to vector<64x128xf32>
    %add3A_171 = arith.addf %add3A_131, %add3A_170 : vector<64x128xf32>
    %reduce_sum3A_172 = vector.shape_cast %slice3A_10 : vector<64x128xf32> to vector<1x64x128xf32>
    %reduce_sum3A_173 = arith.constant dense<0.000000e+00> : vector<1xf32>
    %reduce_sum3A_174 = vector.multi_reduction <add>, %reduce_sum3A_172, %reduce_sum3A_173 [1, 2] : vector<1x64x128xf32> to vector<1xf32>
    %reduce_sum3A_175 = vector.shape_cast %reduce_sum3A_174 : vector<1xf32> to vector<1x1x1xf32>
    %reduce_sum3A_176 = vector.extract %reduce_sum3A_175[0, 0, 0] : f32 from vector<1x1x1xf32>
    %reduce_sum3A_177 = vector.shape_cast %slice3A : vector<64x128xf32> to vector<1x64x128xf32>
    %reduce_sum3A_178 = arith.constant dense<0.000000e+00> : vector<1xf32>
    %reduce_sum3A_179 = vector.multi_reduction <add>, %reduce_sum3A_177, %reduce_sum3A_178 [1, 2] : vector<1x64x128xf32> to vector<1xf32>
    %reduce_sum3A_180 = vector.shape_cast %reduce_sum3A_179 : vector<1xf32> to vector<1x1x1xf32>
    %reduce_sum3A_181 = vector.extract %reduce_sum3A_180[0, 0, 0] : f32 from vector<1x1x1xf32>
    %sub3A_182 = vector.broadcast %reduce_sum3A_181 : f32 to vector<64x128xf32>
    %sub3A_183 = arith.subf %sub3A_182, %add3A_89 : vector<64x128xf32>
    %sub3A_184 = vector.broadcast %reduce_sum3A_176 : f32 to vector<64x128xf32>
    %sub3A_185 = arith.subf %sub3A_184, %add3A_171 : vector<64x128xf32>
    %add3A_186 = arith.addf %sub3A_185, %slice3A_10 : vector<64x128xf32>
    %add3A_187 = vector.broadcast %reduce_sum3A_176 : f32 to vector<64x128xf32>
    %add3A_188 = arith.addf %add3A_187, %sub3A_183 : vector<64x128xf32>
    %div3A = arith.divf %slice3A_12, %add3A_188 : vector<64x128xf32>
    %sub3A_189 = vector.broadcast %reduce_sum3A_176 : f32 to vector<64x128xf32>
    %sub3A_190 = arith.subf %sub3A_189, %add3A_186 : vector<64x128xf32>
    %mul3A = arith.mulf %slice3A_11, %sub3A_190 : vector<64x128xf32>
    %add3A_191 = arith.addf %add3A_188, %slice3A : vector<64x128xf32>
    %mul3A_192 = arith.mulf %add3A_188, %add3A_191 : vector<64x128xf32>
    %div3A_193 = arith.divf %mul3A, %mul3A_192 : vector<64x128xf32>
    %add3A_194 = arith.addf %div3A, %div3A_193 : vector<64x128xf32>
    %reduce_sum3A_195 = vector.shape_cast %add3A_194 : vector<64x128xf32> to vector<1x64x128xf32>
    %reduce_sum3A_196 = arith.constant dense<0.000000e+00> : vector<1xf32>
    %reduce_sum3A_197 = vector.multi_reduction <add>, %reduce_sum3A_195, %reduce_sum3A_196 [1, 2] : vector<1x64x128xf32> to vector<1xf32>
    %reduce_sum3A_198 = vector.shape_cast %reduce_sum3A_197 : vector<1xf32> to vector<1x1x1xf32>
    %reduce_sum3A_199 = vector.extract %reduce_sum3A_198[0, 0, 0] : f32 from vector<1x1x1xf32>
    %get3A_200 = arith.constant 0 : index
    %get3A_201 = arith.constant 0 : index
    %get3A_202 = vector.load %arg2[%get3A_200, %get3A_201] : memref<32x16xf32, #tpu.memory_space<vmem>>, vector<32x16xf32>
    %reduce_max3A = vector.shape_cast %get3A_202 : vector<32x16xf32> to vector<1x32x16xf32>
    %reduce_max3A_203 = arith.constant dense<0xFF800000> : vector<1xf32>
    %reduce_max3A_204 = vector.multi_reduction <maximumf>, %reduce_max3A, %reduce_max3A_203 [1, 2] : vector<1x32x16xf32> to vector<1xf32>
    %reduce_max3A_205 = vector.shape_cast %reduce_max3A_204 : vector<1xf32> to vector<1x1x1xf32>
    %reduce_max3A_206 = vector.extract %reduce_max3A_205[0, 0, 0] : f32 from vector<1x1x1xf32>
    %gt3A = arith.constant 0.000000e+00 : f32
    %gt3A_207 = arith.cmpf ogt, %reduce_sum3A_176, %gt3A : f32
    %select_n3A = arith.select %gt3A_207, %reduce_sum3A_199, %reduce_max3A_206 : f32
    %broadcast_in_dim3A = arith.constant 1.000000e+00 : f32
    %broadcast_in_dim3A_208 = vector.broadcast %broadcast_in_dim3A : f32 to vector<1x1xf32>
    %mul3A_209 = vector.broadcast %select_n3A : f32 to vector<1x1xf32>
    %mul3A_210 = arith.mulf %mul3A_209, %broadcast_in_dim3A_208 : vector<1x1xf32>
    %swap3A = arith.constant 0 : index
    %swap3A_211 = arith.constant 0 : index
    %swap3A_212 = vector.load %arg3[%swap3A, %swap3A_211] : memref<1x1xf32, #tpu.memory_space<vmem>>, vector<1x1xf32>
    tpu.vector_store %arg3[%swap3A, %swap3A_211], %mul3A_210 {strides = array<i32>} : memref<1x1xf32, #tpu.memory_space<vmem>>, vector<1x1xf32>,
    return
  }
}

</mosaic_0001>

<sc_bundles>
// kernel: kernel.4.cloned.1.call-start
scs
__scs_entry_jumppad:
0x0: {  	(pc) =	sbr.rel $0x88, $3  }
0x1: {  	(tag) =	ssettag $0x0;
	lr =	simm.s32 $0x1  }
0x2: {  	[smem:$0x3F9F] =	sst lr;
	_ =	strace $0xD0000000  }
0x3: {  	_ = 	snop  }
0x4: {  	_ = 	snop  }
0x5: {  	_ = 	snop  }
0x6: {  	_ = 	snop  }
0x7: {  	_ = 	snop  }
__scs_overlays_trampoline_lowered:
0x8: {  	[smem:$0x3FAE] =	sst s0  }
0x9: {  	[smem:$0x3FAF] =	sst s1  }
0xa: {  	[smem:$0x3FB0] =	sst s2  }
0xb: {  	[smem:$0x3FB1] =	sst s3  }
0xc: {  	[smem:$0x3FB2] =	sst s4  }
0xd: {  	[smem:$0x3FB3] =	sst s5  }
0xe: {  	[smem:$0x3FB4] =	sst s6  }
0xf: {  	[smem:$0x3FB5] =	sst s7  }
0x10: {  	[smem:$0x3FB6] =	sst s8  }
0x11: {  	[smem:$0x3FB7] =	sst s9;
	s0 =	simm.s32 @!p0 $0x0  }
0x12: {  	s1 =	sld [smem:$0x3F9D];
	s0 =	simm.s32 @p0 $0x1  }
0x13: {  	[smem:$0x3FB8] =	sst s0;
	s0 =	simm.s32 @!p1 $0x0  }
0x14: {  	s2 =	sld [smem:$0x3F9C];
	s0 =	simm.s32 @p1 $0x1  }
0x15: {  	[smem:$0x3FB9] =	sst s0;
	s0 =	simm.s32 @!p2 $0x0  }
0x16: {  	s3 =	sld [smem:$0x3FDB];
	s0 =	simm.s32 @p2 $0x1  }
0x17: {  	s4 =	simm.s32 $0x1BF5;
	[smem:$0x3FBB] =	sst s0  }
0x18: {  	s0 =	sld [smem:$0x3F9E];
	_ =	swait.ge [sflag:s4], $0x0  }
0x19: {  	s7 =	sld [smem:$0x3F9F]  }
0x1a: {  	s8 =	sadd.s32 $0xFFFFE003, lr  }
0x1b: {  	s9 =	sadd.s32 $0xFFFFFEF7, lr;
	s5 =	simm.s32 $0xFFFFFFFF;
	p2 =	slt.u32 s8, $0xFFFFF086  }
0x1c: {  	p1 =	slt.u32 s9, $0xF7A;
	s5 =	simm.s32 @!p2 $0x0  }
0x1d: {  	s5 =	simm.s32 @p1 $0x1;
	p0 =	seq.s32 s7, s2  }
0x1e: {  	s7 =	smul.u32 @!p0 $0xF7A, s2;
	p2 =	seq.s32 @!p0 s5, $0x0  }
0x1f: {  	s9 =	smul.u32 $0xF7A, s1;
	s8 =	simm.s32 @!p0 $0x1BF5;
	p2 =	por !p2, p0  }
0x20: {  	[sflag:s8] =	ssyncset.s32 @!p0 $0xFFFFF086;
	s6 =	sadd.s32 @!p0 s3, s7;
	s7 =	simm.s32 @!p0 $0x108  }
0x21: {  	s3 =	sadd.s32 s3, s9;
	s6 =	sadd.s32 @!p0 $0x88, s6;
	s7 =	simm.s32 @p2 $0x1082  }
0x22: {  	[simem:s7], [sflag:s8] =	dma.local @!p0 [hbm:s6], $0xF7A  }
0x23: {  	s9 =	sor.u32 $0xD0000000, s2;
	s6 =	simm.s32 $0x108;
	_ =	swait.ge @!p0 [sflag:s8], $0x0  }
0x24: {  	s3 =	sadd.s32 $0x88, s3;
	s6 =	simm.s32 @!p1 $0x1082;
	[sflag:s4] =	ssyncset.s32 $0xFFFFF086  }
0x25: {  	[simem:s6], [sflag:s4] =	dma.local [hbm:s3], $0xF7A  }
0x26: {  	[smem:$0x3F9F] =	sst s1;
	(tag) =	ssettag s2;
	_ =	strace s9  }
0x27: {  	s1 =	sld [smem:$0x3FAF]  }
0x28: {  	s2 =	sld [smem:$0x3FB0]  }
0x29: {  	s4 =	sld [smem:$0x3FB2]  }
0x2a: {  	p0 =	seq.s32 s5, $0x0;
	s5 =	sld [smem:$0x3FB3]  }
0x2b: {  	s6 =	sld [smem:$0x3FB4]  }
0x2c: {  	s7 =	sld [smem:$0x3FB5]  }
0x2d: {  	s3 =	simm.s32 $0x108;
	s8 =	sld [smem:$0x3FB6]  }
0x2e: {  	s3 =	simm.s32 @!p0 $0x1082;
	s9 =	sld [smem:$0x3FB7]  }
0x2f: {  	lr =	sadd.s32 s0, s3;
	s0 =	sld [smem:$0x3FAE]  }
0x30: {  	s3 =	sld [smem:$0x3FB1]  }
0x31: {  	[smem:$0x3FBA] =	sst s10  }
0x32: {  	s10 =	sld [smem:$0x3FB8];
	_ =	sdelay $0x3  }
0x33: {  	p0 =	seq.s32 s10, $0x1;
	s10 =	sld [smem:$0x3FBA];
	_ =	sdelay $0x3  }
0x34: {  	[smem:$0x3FBA] =	sst s10  }
0x35: {  	s10 =	sld [smem:$0x3FB9];
	_ =	sdelay $0x3  }
0x36: {  	p1 =	seq.s32 s10, $0x1;
	s10 =	sld [smem:$0x3FBA];
	_ =	sdelay $0x3  }
0x37: {  	[smem:$0x3FBA] =	sst s10  }
0x38: {  	s10 =	sld [smem:$0x3FBB]  }
0x39: {  	_ = 	snop;
	(pc) =	sbr.ind lr, $3  }
0x3a: {  	_ = 	snop  }
0x3b: {  	_ = 	snop  }
0x3c: {  	p2 =	seq.s32 s10, $0x1;
	s10 =	sld [smem:$0x3FBA]  }
0x3d: {  	_ =	shalt  }
0x3e: {  	_ =	shalt  }
0x3f: {  	_ =	shalt  }
0x40: {  	_ =	shalt  }
0x41: {  	_ =	shalt  }
0x42: {  	_ =	shalt  }
0x43: {  	_ =	shalt  }
0x44: {  	_ =	shalt  }
0x45: {  	_ =	shalt  }
0x46: {  	_ =	shalt  }
0x47: {  	_ =	shalt  }
0x48: {  	_ =	shalt  }
0x49: {  	_ =	shalt  }
0x4a: {  	_ =	shalt  }
0x4b: {  	_ =	shalt  }
0x4c: {  	_ =	shalt  }
0x4d: {  	_ =	shalt  }
0x4e: {  	_ =	shalt  }
0x4f: {  	_ =	shalt  }
0x50: {  	_ =	shalt  }
0x51: {  	_ =	shalt  }
0x52: {  	_ =	shalt  }
0x53: {  	_ =	shalt  }
0x54: {  	_ =	shalt  }
0x55: {  	_ =	shalt  }
0x56: {  	_ =	shalt  }
0x57: {  	_ =	shalt  }
0x58: {  	_ =	shalt  }
0x59: {  	_ =	shalt  }
0x5a: {  	_ =	shalt  }
0x5b: {  	_ =	shalt  }
0x5c: {  	_ =	shalt  }
0x5d: {  	_ =	shalt  }
0x5e: {  	_ =	shalt  }
0x5f: {  	_ =	shalt  }
0x60: {  	_ =	shalt  }
0x61: {  	_ =	shalt  }
0x62: {  	_ =	shalt  }
0x63: {  	_ =	shalt  }
0x64: {  	_ =	shalt  }
0x65: {  	_ =	shalt  }
0x66: {  	_ =	shalt  }
0x67: {  	_ =	shalt  }
0x68: {  	_ =	shalt  }
0x69: {  	_ =	shalt  }
0x6a: {  	_ =	shalt  }
0x6b: {  	_ =	shalt  }
0x6c: {  	_ =	shalt  }
0x6d: {  	_ =	shalt  }
0x6e: {  	_ =	shalt  }
0x6f: {  	_ =	shalt  }
0x70: {  	_ =	shalt  }
0x71: {  	_ =	shalt  }
0x72: {  	_ =	shalt  }
0x73: {  	_ =	shalt  }
0x74: {  	_ =	shalt  }
0x75: {  	_ =	shalt  }
0x76: {  	_ =	shalt  }
0x77: {  	_ =	shalt  }
0x78: {  	_ =	shalt  }
0x79: {  	_ =	shalt  }
0x7a: {  	_ =	shalt  }
0x7b: {  	_ =	shalt  }
0x7c: {  	_ =	shalt  }
0x7d: {  	_ =	shalt  }
0x7e: {  	_ =	shalt  }
0x7f: {  	_ =	shalt  }
0x80: {  	_ =	shalt  }
0x81: {  	_ =	shalt  }
0x82: {  	_ =	shalt  }
0x83: {  	_ =	shalt  }
0x84: {  	_ =	shalt  }
0x85: {  	_ =	shalt  }
0x86: {  	_ =	shalt  }
0x87: {  	_ =	shalt  }
.Lfunc_end0:
.L_simem_size_0:
called_computation_lowered:
.L_overlay_start_0:
0x88: {  	s2 =	sld [smem:$0x3FD9]  }
0x89: {  	s3 =	sld [smem:$0x3FFE];
	_ =	sdelay $0x1  }
0x8a: {  	s1 =	srdreg.scid  }
0x8b: {  	s0 =	sand.u32 $0x1, s1  }
0x8c: {  	s17 =	sshll.u32 s0, $0xA;
	s2 =	sadd.s32 s3, s2  }
0x8d: {  	s2 =	sadd.s32 s2, s17  }
0x8e: {  	[smem:$0x3FC6] =	sst s2  }
0x8f: {  	_ = 	snop  }
0x90: {  	s2 =	sld [smem:$0x3FC9]  }
0x91: {  	s18 =	sld [smem:$0x3FC8];
	(tm) =	ssettm $0x1  }
0x92: {  	s4 =	sld [smem:$0x3FFB];
	_ =	sdelay $0x3  }
0x93: {  	_ =	strace s4  }
0x94: {  	s4 =	sld [smem:$0x3FFC];
	_ =	sdelay $0x3  }
0x95: {  	_ =	strace s4  }
0x96: {  	s4 =	sld [smem:$0x3FFD];
	_ =	sdelay $0x3  }
0x97: {  	_ =	strace s4  }
0x98: {  	_ =	strace $0x8FFFFFFF  }
0x99: {  	s19 =	sld [smem:$0x3FDB];
	_ =	sdelay $0x1  }
0x9a: {  	s5 =	simm.s32 $_scs_section_size  }
0x9b: {  	s6 =	simm.s32 $_size__tile_overlayer_lowered;
	s7 =	simm.s32 $_tile_overlayer_lowered  }
0x9c: {  	s22 =	simm.s32 $0x1BFF;
	s21 =	sshll.u32 s7, $0x1;
	s4 =	sadd.s32 s5, s19  }
0x9d: {  	s8 =	simm.s32 $0x0;
	s20 =	sshll.u32 s6, $0x1;
	s6 =	sadd.s32 s21, s4  }
0x9e: {  	[timem:s8], [sflag:s22] =	dma.local [hbm:s6], s20  }
0x9f: {  	_ =	swait.ge [sflag:s22], s20  }
0xa0: {  	s5 =	ssub.s32 $0x0, s20;
	[sflag:s22] =	ssyncset.done $0x0  }
0xa1: {  	[sflag:s22] =	ssyncadd.s32 s5;
	_ =	sdelay $0x1  }
0xa2: {  	s23 =	simm.s32 $0x1B8B  }
0xa3: {  	_ =	swait.ge [sflag:s23], $0x1  }
0xa4: {  	[sflag:s23] =	ssyncset.done $0x0  }
0xa5: {  	s25 =	simm.s32 $0x1B8E;
	s24 =	sld [smem:$0x3FFE];
	[sflag:s23] =	ssyncadd.s32 $0xFFFFFFFF  }
0xa6: {  	s26 =	simm.s32 $execute0_lowered;
	[smem:$0x3FD2] =	sst s25  }
0xa7: {  	s6 =	sshll.u32 s26, $0x1;
	_ =	strace $0x80000046;
	[dreg:$0x1] =	wrdreg $0xFFFFFFFF  }
0xa8: {  	s28 =	simm.s32 $_size_execute0_lowered;
	s4 =	sadd.s32 s4, s6;
	[dreg:$0x0] =	wrdreg $0x0  }
0xa9: {  	s6 =	sshll.u32 s28, $0x1;
	[dreg:$0x2] =	wrdreg s4  }
0xaa: {  	[dreg:$0x3] =	wrdreg s6  }
0xab: {  	[dreg:$0x4] =	wrdreg $0xC0  }
0xac: {  	_ =	task [dreg:s8], $0x5FFFF  }
0xad: {  	[dreg:$0x1] =	wrdreg $0xFFFFFFFF  }
0xae: {  	[dreg:$0x0] =	wrdreg $0x60  }
0xaf: {  	[dreg:$0x2] =	wrdreg s2  }
0xb0: {  	[dreg:$0x3] =	wrdreg s18  }
0xb1: {  	[dreg:$0x4] =	wrdreg s24  }
0xb2: {  	[dreg:$0x5] =	wrdreg $0x9  }
0xb3: {  	_ =	task.clear_ibuf [dreg:s8], $0x6FFFF;
	_ =	strace $0x90000046  }
0xb4: {  	s29 =	simm.s32 $0x9;
	_ =	strace $0x8000004E  }
0xb5: {  	_ =	swait.ge [sflag:s29], $0x1  }
0xb6: {  	[sflag:s29] =	ssyncadd.s32 $0xFFFFFFFF  }
0xb7: {  	_ =	strace $0x9000004E  }
0xb8: {  	_ =	sfence  }
0xb9: {  	s30 =	sld [smem:$0x0];
	_ =	sdelay $0x2  }
0xba: {  	s31 =	sshll.u32 s1, $0xD;
	s1 =	sshrl.u32 s1, $0x2  }
0xbb: {  	s3 =	sand.u32 $0x4000, s31;
	s1 =	sadd.s32 s1, s30  }
0xbc: {  	s0 =	sor.u32 s3, s0;
	s1 =	sshll.u32 s1, $0x11  }
0xbd: {  	s0 =	sor.u32 s1, s0  }
0xbe: {  	s0 =	sadd.s32 $0x8F2B, s0  }
0xbf: {  	[sflag:s0] =	ssyncadd.remote.s32 $0x1  }
0xc0: {  	_ =	sfence.sel $0xFFFF  }
0xc1: {  	[dreg:$0x0] =	wrdreg $0xFFFFFFFF;
	(pc) =	sbr.abs _section_cstart, $3  }
0xc2: {  	[dreg:$0x1] =	wrdreg $0xFFFFFFFF  }
0xc3: {  	_ =	task.clear_ibuf [dreg:s8], $0x2FFFF;
	_ =	strace $0x9FFFFFFF  }
0xc4: {  	(tm) =	ssettm $0x7FFFFFFF  }
0xc5: {  	_ =	shalt  }
tec
execute0_lowered:
.L_overlay_start_1:
0x0: {  	(tag) =	ssettag $0x1  }
0x1: {  	s1 =	rddreg [dreg:$0x0]  }
0x2: {  	s2 =	rddreg [dreg:$0x1];
	s0 =	srdreg.scid  }
0x3: {  	s8 =	stileid.u32;
	s3 =	rddreg [dreg:$0x2];
	s14 =	simm.s32 $0x4000  }
0x4: {  	s15 =	simm.s32 $0x1;
	s17 =	simm.s32 $0x400;
	s19 =	simm.s32 $0x0  }
0x5: {  	s20 =	simm.s32 $0x0;
	s0 =	sand.u32 $0x1, s0;
	s4 =	sshll.u32 s8, $0x8  }
0x6: {  	s5 =	sshrl.u32 s8, $0x2;
	s25 =	sshll.u32 s8, $0xE;
	s6 =	sshll.u32 s0, $0x7  }
0x7: {  	s4 =	sand.u32 $0x300, s4;
	s7 =	sshll.u32 s5, $0x11;
	s5 =	sshll.u32 s5, $0xA  }
0x8: {  	s24 =	ssub.s32 $0x2, s0;
	s0 =	sshll.u32 s0, $0x12;
	s6 =	sor.u32 s6, s4  }
0x9: {  	s4 =	simm.s32 $0x0;
	s7 =	sor.u32 s7, s6;
	s5 =	sor.u32 s5, s6  }
0xa: {  	s26 =	sshrl.u32 s24, $0x1;
	s7 =	sshrl.u32 s7, $0x3;
	s5 =	sshrl.u32 s5, $0x3  }
0xb: {  	s9 =	sadd.s32 s7, s3;
	s3 =	sadd.s32 s5, s3;
	s5 =	sor.u32 s25, s0  }
0xc: {  	[smem:$0x7FF] =	sst s4;
	s28 =	ssub.s32 s24, s26;
	s29 =	sadd.s32 s1, s5  }
0xd: {  	_ =	strace $0x80000047;
	s30 =	sadd.s32 s2, s5;
	[dreg:$0x4] =	wrdreg s29  }
0xe: {  	s11 =	smax.u32 s28, $0x1;
	s31 =	sadd.s32 $0xC00, s9;
	[dreg:$0x5] =	wrdreg s30  }
0xf: {  	v0 =	vimm.f32 $0.0e+00;
	v1 =	vimm.f32 $1.000000000e+00;
	s9 =	sadd.s32 $0x10C00, s9;
	s10 =	sadd.s32 $0x20C00, s3;
	[dreg:$0x6] =	wrdreg s31  }
.LBB2_1:
0x10: {  	s0 =	simm.s32 $0x40  }
0x11: {  	[tilespmem:s0+$0x30] =	vst v0  }
0x12: {  	[tilespmem:s0+$0xFFFFFFF0] =	vst v0  }
0x13: {  	[tilespmem:s0+$0xFFFFFFC0] =	vst v0  }
0x14: {  	[tilespmem:s0+$0xFFFFFFE0] =	vst v0  }
0x15: {  	[tilespmem:s0+$0x10] =	vst v0  }
0x16: {  	[tilespmem:s0+$0x20] =	vst v0  }
0x17: {  	[tilespmem:s0+$0x0] =	vst v0  }
0x18: {  	s3 =	simm.s32 $0x4040;
	[tilespmem:s0+$0xFFFFFFD0] =	vst v0  }
0x19: {  	[tilespmem:s3+$0xFFFFFFC0] =	vst v0  }
0x1a: {  	[tilespmem:s3+$0x30] =	vst v0  }
0x1b: {  	[tilespmem:s3+$0x20] =	vst v0  }
0x1c: {  	[tilespmem:s3+$0x10] =	vst v0  }
0x1d: {  	[tilespmem:s3+$0xFFFFFFE0] =	vst v0  }
0x1e: {  	[tilespmem:s3+$0x0] =	vst v0  }
0x1f: {  	s12 =	simm.s32 $0x0;
	[tilespmem:s3+$0xFFFFFFF0] =	vst v0  }
.LBB2_2:
0x20: {  	s12 =	sadd.s32 $0x80, s12;
	[tilespmem:s3+$0xFFFFFFD0] =	vst v0;
	s0 =	sadd.s32 $0x80, s0;
	s3 =	sadd.s32 $0x80, s3  }
0x21: {  	[tilespmem:s0+$0x30] =	vst v0;
	p0 =	slt.u32 s12, $0x3F80  }
0x22: {  	[tilespmem:s0+$0xFFFFFFF0] =	vst v0  }
0x23: {  	[tilespmem:s0+$0xFFFFFFC0] =	vst v0  }
0x24: {  	[tilespmem:s3+$0xFFFFFFC0] =	vst v0  }
0x25: {  	[tilespmem:s3+$0x30] =	vst v0  }
0x26: {  	[tilespmem:s0+$0xFFFFFFE0] =	vst v0  }
0x27: {  	[tilespmem:s0+$0x10] =	vst v0  }
0x28: {  	[tilespmem:s0+$0x20] =	vst v0  }
0x29: {  	[tilespmem:s3+$0x20] =	vst v0  }
0x2a: {  	[tilespmem:s3+$0x10] =	vst v0  }
.Ltmp0:
0x2b: {  	[tilespmem:s3+$0xFFFFFFE0] =	vst v0;
	(pc) =	sbr.rel @p0 .LBB2_2-.Ltmp0, $4  }
0x2c: {  	[tilespmem:s0+$0x0] =	vst v0  }
0x2d: {  	[tilespmem:s3+$0x0] =	vst v0  }
0x2e: {  	[tilespmem:s3+$0xFFFFFFF0] =	vst v0  }
0x2f: {  	[tilespmem:s0+$0xFFFFFFD0] =	vst v0  }
0x30: {  	[tilespmem:s3+$0xFFFFFFD0] =	vst v0  }
0x31: {  	[tilespmem:$0x8000] =	vst v0  }
0x32: {  	s29 =	simm.s32 $0x8080;
	s31 =	simm.s32 $0xC080;
	_ =	strace $0x80000048  }
0x33: {  	s21 =	simm.s32 $0x1;
	s28 =	simm.s32 $0x0;
	s0 =	rddreg [dreg:$0x4]  }
0x34: {  	[tilespmem:s29], [sflag:$0x1] =	stream.linear.gather [hbm4b:s0+s20], $0x2000, $0x200038;
	[tilespmem:$0x10080] =	vst v63  }
0x35: {  	s22 =	simm.s32 $0x0;
	s23 =	simm.s32 $0x1;
	s30 =	rddreg [dreg:$0x5]  }
0x36: {  	[tilespmem:s31], [sflag:$0x3] =	stream.linear.gather [hbm4b:s30+s20], $0x2000, $0x200038;
	[tilespmem:$0x10080] =	vst v63  }
0x37: {  	s24 =	simm.s32 $0x0;
	s25 =	simm.s32 $0x0;
	_ =	strace $0x90000048  }
.LBB2_4:
0x38: {  	s26 =	sadd.s32 $0x1, s28  }
0x39: {  	p0 =	seq.s32 s26, $0x10  }
0x3a: {  	s26 =	simm.s32 @p0 $0x0;
	p0 =	seq.s32 s25, $0xF  }
0x3b: {  	p1 =	seq.s32 @!p0 s28, s26  }
0x3c: {  	p2 =	por p1, p0  }
0x3d: {  	s12 =	sshll.u32 @!p2 s26, $0xA  }
0x3e: {  	s0 =	sand.u32 @!p2 $0x1, s21;
	_ =	strace @!p2 $0x80000049;
	s12 =	sadd.s32 @!p2 s12, s5  }
0x3f: {  	s30 =	simm.s32 @!p2 $0x0;
	s13 =	sshll.u32 @!p2 s0, $0xD;
	s12 =	sand.u32 @!p2 $0x1FFFFC00, s12  }
0x40: {  	s0 =	sadd.s32 @!p2 $0x1, s0;
	s13 =	sor.u32 @!p2 $0x8080, s13;
	s29 =	sadd.s32 @!p2 s1, s12  }
0x41: {  	[tilespmem:s13], [sflag:s0] =	stream.linear.gather @!p2 [hbm4b:s29+s30], $0x2000, $0x200038;
	[tilespmem:$0x10080] =	vst v63  }
0x42: {  	s0 =	sand.u32 @!p2 $0x1, s23  }
0x43: {  	s12 =	sadd.s32 @!p2 s2, s12;
	_ =	strace @!p2 $0x90000049;
	s13 =	sshll.u32 @!p2 s0, $0xD  }
0x44: {  	s0 =	sadd.s32 @!p2 $0x3, s0;
	_ =	strace @!p2 $0x8000004A;
	s13 =	sor.u32 @!p2 $0xC080, s13  }
0x45: {  	[tilespmem:s13], [sflag:s0] =	stream.linear.gather @!p2 [hbm4b:s12+s30], $0x2000, $0x200038;
	[tilespmem:$0x10080] =	vst v63  }
0x46: {  	s12 =	sand.u32 $0x1, s24;
	_ =	strace @!p2 $0x9000004A  }
0x47: {  	s0 =	sadd.s32 $0x1, s12;
	_ =	strace $0x8000004B  }
0x48: {  	_ =	swait.ge [sflag:s0], $0x2000  }
0x49: {  	[sflag:s0] =	ssyncset.done $0x0  }
0x4a: {  	s13 =	sshll.u32 s22, $0xD;
	[sflag:s0] =	ssyncadd.s32 $0xFFFFE000  }
0x4b: {  	s16 =	sand.u32 $0x1, s22;
	s0 =	sand.u32 $0x2000, s13;
	_ =	strace $0x9000004B  }
0x4c: {  	s12 =	sadd.s32 $0x3, s16;
	s0 =	sor.u32 $0xC080, s0;
	_ =	strace $0x8000004C  }
0x4d: {  	v2 =	vmov s0;
	_ =	swait.ge [sflag:s12], $0x2000  }
0x4e: {  	s29 =	simm.s32 $0x0;
	[sflag:s12] =	ssyncset.done $0x0  }
0x4f: {  	s6 =	sand.u32 $0xC00, s20;
	s18 =	sand.u32 $0x1000, s29;
	[sflag:s12] =	ssyncadd.s32 $0xFFFFE000  }
0x50: {  	s7 =	sand.u32 $0x380, s20;
	s0 =	sor.u32 s18, s6;
	_ =	strace $0x9000004C  }
0x51: {  	s12 =	sor.u32 s7, s0;
	_ =	strace $0x8000004D  }
0x52: {  	s8 =	sshll.u32 s24, $0xD;
	s0 =	sor.u32 $0x60, s12;
	v3 =	vld.idx.msk [tilespmem:v2+s12+$0x0 ss:$0x1], $0xffff  }
0x53: {  	s13 =	sand.u32 $0x2000, s8;
	s30 =	sor.u32 $0x20, s12;
	v5 =	vld.idx.msk [tilespmem:v2+s0+$0x0 ss:$0x1], $0xffff  }
0x54: {  	s13 =	sor.u32 $0x8080, s13;
	s31 =	sor.u32 $0x70, s12;
	v6 =	vld.idx.msk [tilespmem:v2+s30+$0x0 ss:$0x1], $0xffff  }
0x55: {  	v4 =	vmov s13;
	s16 =	sor.u32 $0x30, s12;
	v8 =	vld.idx.msk [tilespmem:v2+s31+$0x0 ss:$0x1], $0xffff  }
0x56: {  	s18 =	sor.u32 $0x10, s12;
	v9 =	vld.idx.msk [tilespmem:v2+s16+$0x0 ss:$0x1], $0xffff  }
0x57: {  	v10 =	vld.idx.msk [tilespmem:v2+s18+$0x0 ss:$0x1], $0xffff;
	_ =	sdelay $0x1  }
0x58: {  	v3 =	vcvt.s32.f32 v3  }
0x59: {  	s6 =	sor.u32 $0x50, s12;
	v11 =	vld.idx.msk [tilespmem:v4+s12+$0x0 ss:$0x1], $0xffff;
	v7 =	vcvt.s32.f32 v5;
	v8 =	vcvt.s32.f32 v8  }
0x5a: {  	v12 =	vld.idx.msk [tilespmem:v2+s6+$0x0 ss:$0x1], $0xffff;
	v6 =	vcvt.s32.f32 v6;
	v9 =	vcvt.s32.f32 v9;
	v5 =	vadd.f32 v3, v3  }
0x5b: {  	v10 =	vcvt.s32.f32 v10;
	v14 =	vadd.f32 v7, v7;
	v18 =	vadd.f32 v8, v8  }
0x5c: {  	v13 =	vld.idx.msk [tilespmem:v4+s16+$0x0 ss:$0x1], $0xffff;
	v16 =	vadd.f32 v9, v9;
	v20 =	vmul.f32 $8.192000000e+03, v3;
	v3 =	vadd.f32 v6, v6  }
0x5d: {  	v17 =	vimm.f32 $0.0e+00;
	v15 =	vld.idx.msk [tilespmem:v4+s18+$0x0 ss:$0x1], $0xffff;
	v19 =	vadd.f32 v10, v10;
	v5 =	vadd.f32 $-1.000000000e+00, v5  }
0x5e: {  	v9 =	vmul.f32 $8.192000000e+03, v9;
	v10 =	vmul.f32 $8.192000000e+03, v10;
	v16 =	vadd.f32 $-1.000000000e+00, v16  }
0x5f: {  	s12 =	sor.u32 $0x40, s12;
	v5 =	vmul.f32 v5, v11;
	v11 =	vcvt.s32.f32 v12;
	v12 =	vadd.f32 $-1.000000000e+00, v19;
	v19 =	vld.idx.msk [tilespmem:v4+s30+$0x0 ss:$0x1], $0xffff  }
0x60: {  	v21 =	vld.idx.msk [tilespmem:v2+s12+$0x0 ss:$0x1], $0xffff;
	v6 =	vmul.f32 $8.192000000e+03, v6;
	v14 =	vadd.f32 $-1.000000000e+00, v14;
	v3 =	vadd.f32 $-1.000000000e+00, v3  }
0x61: {  	v8 =	vmul.f32 $8.192000000e+03, v8;
	v18 =	vadd.f32 $-1.000000000e+00, v18;
	v10 =	vadd.f32 $1.000000000e+00, v10  }
0x62: {  	v13 =	vmul.f32 v16, v13;
	v16 =	vadd.f32 $1.000000000e+00, v6;
	v6 =	vmul.f32 v12, v15  }
0x63: {  	v23 =	vld.idx.msk [tilespmem:v4+s6+$0x0 ss:$0x1], $0xffff;
	v27 =	vadd.f32 $1.000000000e+00, v20;
	v5 =	vsub.f32 $1.000000000e+00, v5;
	v12 =	vmul.f32 $8.192000000e+03, v11  }
0x64: {  	v11 =	vadd.f32 v11, v11;
	v22 =	vsub.f32 $1.000000000e+00, v6;
	v19 =	vmul.f32 v3, v19  }
0x65: {  	v13 =	vsub.f32 $1.000000000e+00, v13;
	v15 =	vcvt.s32.f32 v21;
	v21 =	vld.idx.msk [tilespmem:v4+s31+$0x0 ss:$0x1], $0xffff;
	v5 =	vmax.f32 v5, $0.0e+00  }
0x66: {  	v11 =	vadd.f32 $-1.000000000e+00, v11;
	v3 =	vmax.f32 v22, $0.0e+00;
	v22 =	vsub.f32 $1.000000000e+00, v19  }
0x67: {  	v24 =	vld.idx.msk [tilespmem:v4+s12+$0x0 ss:$0x1], $0xffff;
	v6 =	vmax.f32 v13, $0.0e+00;
	v26 =	vadd.f32 v15, v15;
	v25 =	vmin.f32 v5, $1.600000000e+01  }
0x68: {  	v19 =	vadd.f32 $1.000000000e+00, v9;
	v9 =	vmax.f32 v22, $0.0e+00;
	v22 =	vmul.f32 v11, v23;
	v11 =	vld.idx.msk [tilespmem:v4+s0+$0x0 ss:$0x1], $0xffff  }
0x69: {  	p1 =	por !p1, p0;
	s6 =	sadd.s32 @!p2 $0x1, s21;
	v13 =	vmax.f32 v17, v5;
	v17 =	vmin.f32 v6, $1.600000000e+01;
	v25 =	vmul.f32 $5.115000000e+02, v25  }
0x6a: {  	s3 =	smov.u32 s21;
	s21 =	smov.u32 @p1 s6;
	s30 =	simm.s32 $0x0;
	v20 =	vmul.f32 $5.115000000e+02, v17;
	v17 =	vadd.f32 $-1.000000000e+00, v26;
	v21 =	vmul.f32 v18, v21  }
0x6b: {  	s21 =	smov.u32 @p0 s3;
	s30 =	simm.s32 @p1 $0x1;
	v13 =	vmax.f32 v13, v3;
	v18 =	vadd.f32 v25, v27;
	v63 =	vmin.f32 v9, $1.600000000e+01  }
0x6c: {  	s3 =	simm.s32 $0x0;
	s30 =	simm.s32 @p0 $0x0;
	s31 =	simm.s32 $0x0;
	v17 =	vmul.f32 v17, v24;
	v21 =	vsub.f32 $1.000000000e+00, v21;
	v23 =	vmul.f32 $5.115000000e+02, v63  }
.LBB2_5:
0x6d: {  	s29 =	sadd.s32 $0x80, s29;
	v19 =	vadd.f32 v20, v19;
	v11 =	vmul.f32 v14, v11;
	v7 =	vmul.f32 $8.192000000e+03, v7;
	s31 =	sadd.s32 $0x20, s31;
	s3 =	sadd.s32 $0x400, s3  }
0x6e: {  	v20 =	vsub.f32 $1.000000000e+00, v22;
	s0 =	sand.u32 $0x1000, s29;
	s6 =	sand.u32 $0xC00, s3;
	p1 =	slt.u32 s29, $0x1F80;
	v14 =	vadd.f32 v23, v16;
	v16 =	vmax.f32 v13, v9  }
0x6f: {  	v13 =	vmax.f32 v21, $0.0e+00;
	s0 =	sor.u32 s0, s6;
	s6 =	sand.u32 $0x380, s31;
	v19 =	vtrunc.f32 v19;
	v22 =	vsub.f32 $1.000000000e+00, v11  }
0x70: {  	v17 =	vsub.f32 $1.000000000e+00, v17;
	v11 =	vmin.f32 v3, $1.600000000e+01;
	s6 =	sor.u32 s6, s0;
	v19 =	vcvt.f32.s32 v19  }
0x71: {  	v15 =	vmul.f32 $8.192000000e+03, v15;
	v16 =	vmax.f32 v16, v6;
	v20 =	vmax.f32 v20, $0.0e+00;
	v21 =	vld.idx.msk [tilespmem:v4+s6+$0x0 ss:$0x1], $0xffff;
	s18 =	sor.u32 $0x10, s6;
	s7 =	sor.u32 $0x20, s6;
	s16 =	sor.u32 $0x30, s6  }
0x72: {  	v24 =	vmul.f32 $5.115000000e+02, v11;
	v25 =	vmax.f32 v17, $0.0e+00;
	v17 =	vmin.f32 v20, $1.600000000e+01;
	s13 =	sor.u32 $0x40, s6;
	s12 =	sor.u32 $0x50, s6;
	s8 =	sor.u32 $0x60, s6;
	v23 =	vld.idx.msk [tilespmem:v4+s18+$0x0 ss:$0x1], $0xffff  }
0x73: {  	v12 =	vadd.f32 $1.000000000e+00, v12;
	s0 =	sor.u32 $0x70, s6;
	v16 =	vmax.f32 v16, v25;
	v17 =	vmul.f32 $5.115000000e+02, v17;
	v11 =	vld.idx.msk [tilespmem:v4+s8+$0x0 ss:$0x1], $0xffff  }
0x74: {  	v14 =	vtrunc.f32 v14;
	v27 =	vmin.f32 v25, $1.600000000e+01;
	v16 =	vmax.f32 v16, v20;
	v26 =	vld.idx.msk [tilespmem:v4+s7+$0x0 ss:$0x1], $0xffff  }
0x75: {  	v18 =	vtrunc.f32 v18;
	v29 =	vmin.f32 v13, $1.600000000e+01;
	v12 =	vadd.f32 v17, v12;
	v28 =	vld.idx.msk [tilespmem:v2+s6+$0x0 ss:$0x1], $0xffff  }
0x76: {  	v15 =	vadd.f32 $1.000000000e+00, v15;
	v14 =	vcvt.f32.s32 v14;
	v27 =	vmul.f32 $5.115000000e+02, v27;
	v30 =	vld.idx.msk [tilespmem:v2+s8+$0x0 ss:$0x1], $0xffff  }
0x77: {  	v8 =	vadd.f32 $1.000000000e+00, v8;
	v17 =	vmax.f32 v22, $0.0e+00;
	v12 =	vtrunc.f32 v12;
	v31 =	vld.idx.msk [tilespmem:v2+s7+$0x0 ss:$0x1], $0xffff  }
0x78: {  	v15 =	vadd.f32 v27, v15;
	v16 =	vmax.f32 v16, v17;
	v27 =	vmul.f32 $5.115000000e+02, v29;
	v22 =	vld.idx.msk [tilespmem:v2+s0+$0x0 ss:$0x1], $0xffff  }
0x79: {  	v10 =	vadd.f32 v24, v10;
	v24 =	vadd.f32 $1.000000000e+00, v7;
	v12 =	vcvt.f32.s32 v12;
	v29 =	vld.idx.msk [tilespmem:v2+s16+$0x0 ss:$0x1], $0xffff  }
0x7a: {  	v15 =	vtrunc.f32 v15;
	v8 =	vadd.f32 v27, v8;
	v27 =	vmax.f32 v16, v13;
	v32 =	vld.idx.msk [tilespmem:v2+s18+$0x0 ss:$0x1], $0xffff  }
0x7b: {  	v33 =	vmin.f32 v17, $1.600000000e+01;
	v16 =	vcvt.s32.f32 v28;
	v28 =	vld.idx.msk [tilespmem:v2+s12+$0x0 ss:$0x1], $0xffff  }
0x7c: {  	v7 =	vcvt.s32.f32 v30;
	v30 =	vmul.f32 $5.115000000e+02, v33;
	v34 =	vld.idx.msk [tilespmem:v4+s16+$0x0 ss:$0x1], $0xffff  }
0x7d: {  	v10 =	vtrunc.f32 v10;
	v33 =	vadd.f32 v16, v16;
	v31 =	vcvt.s32.f32 v31;
	[tilespmem:v14+s4+$0x0] =	vst.idx.add.f32.msk $0xffff, v1  }
0x7e: {  	v18 =	vcvt.f32.s32 v18;
	v35 =	vadd.f32 v7, v7;
	v22 =	vcvt.s32.f32 v22;
	[tilespmem:v14+s14+$0x0] =	vst.idx.add.f32.msk $0xffff, v9  }
0x7f: {  	v9 =	vadd.f32 $-1.000000000e+00, v33;
	v14 =	vcvt.s32.f32 v29;
	v29 =	vcvt.f32.s32 v15;
	[tilespmem:v19+s4+$0x0] =	vst.idx.add.f32.msk $0xffff, v1  }
0x80: {  	v36 =	vtrunc.f32 v8;
	v15 =	vcvt.s32.f32 v32;
	v33 =	vadd.f32 v22, v22;
	v32 =	vld.idx.msk [tilespmem:v2+s13+$0x0 ss:$0x1], $0xffff  }
0x81: {  	v37 =	vmul.f32 $8.192000000e+03, v16;
	v16 =	vadd.f32 v31, v31;
	v38 =	vmul.f32 $8.192000000e+03, v14;
	[tilespmem:v12+s4+$0x0] =	vst.idx.add.f32.msk $0xffff, v1  }
0x82: {  	v31 =	vmul.f32 $8.192000000e+03, v31;
	v8 =	vadd.f32 v14, v14;
	v14 =	vadd.f32 $-1.000000000e+00, v35;
	[tilespmem:v19+s14+$0x0] =	vst.idx.add.f32.msk $0xffff, v6  }
0x83: {  	v6 =	vmul.f32 v9, v21;
	v9 =	vadd.f32 v15, v15;
	v19 =	vcvt.s32.f32 v28;
	[tilespmem:v12+s14+$0x0] =	vst.idx.add.f32.msk $0xffff, v20  }
0x84: {  	v12 =	vadd.f32 $-1.000000000e+00, v8;
	v8 =	vmul.f32 $8.192000000e+03, v22;
	v20 =	vcvt.f32.s32 v36;
	[tilespmem:v18+s4+$0x0] =	vst.idx.add.f32.msk $0xffff, v1  }
0x85: {  	v21 =	vmul.f32 $8.192000000e+03, v15;
	v22 =	vadd.f32 $-1.000000000e+00, v16;
	v9 =	vadd.f32 $-1.000000000e+00, v9;
	[tilespmem:v18+s14+$0x0] =	vst.idx.add.f32.msk $0xffff, v5  }
0x86: {  	v15 =	vadd.f32 v30, v24;
	v16 =	vadd.f32 $1.000000000e+00, v31;
	v5 =	vmul.f32 v12, v34;
	v28 =	vld.idx.msk [tilespmem:v4+s13+$0x0 ss:$0x1], $0xffff  }
0x87: {  	v6 =	vsub.f32 $1.000000000e+00, v6;
	v18 =	vcvt.f32.s32 v10;
	v9 =	vmul.f32 v9, v23;
	v23 =	vld.idx.msk [tilespmem:v4+s12+$0x0 ss:$0x1], $0xffff  }
0x88: {  	v12 =	vmul.f32 $8.192000000e+03, v19;
	v10 =	vtrunc.f32 v15;
	v24 =	vsub.f32 $1.000000000e+00, v5;
	[tilespmem:v29+s4+$0x0] =	vst.idx.add.f32.msk $0xffff, v1  }
0x89: {  	v15 =	vcvt.s32.f32 v32;
	v19 =	vadd.f32 v19, v19;
	v9 =	vsub.f32 $1.000000000e+00, v9;
	v30 =	vld.idx.msk [tilespmem:v4+s0+$0x0 ss:$0x1], $0xffff  }
0x8a: {  	v31 =	vadd.f32 $-1.000000000e+00, v33;
	v32 =	vcvt.f32.s32 v10;
	v5 =	vmax.f32 v6, $0.0e+00;
	[tilespmem:v20+s4+$0x0] =	vst.idx.add.f32.msk $0xffff, v1  }
0x8b: {  	v10 =	vadd.f32 $1.000000000e+00, v21;
	v21 =	vmul.f32 v22, v26;
	v6 =	vmax.f32 v24, $0.0e+00;
	[tilespmem:v29+s14+$0x0] =	vst.idx.add.f32.msk $0xffff, v25  }
0x8c: {  	v22 =	vmax.f32 v27, v5;
	v9 =	vmax.f32 v9, $0.0e+00;
	v24 =	vmin.f32 v6, $1.600000000e+01;
	[tilespmem:v20+s14+$0x0] =	vst.idx.add.f32.msk $0xffff, v13  }
0x8d: {  	v21 =	vsub.f32 $1.000000000e+00, v21;
	v13 =	vmax.f32 v22, v9;
	v22 =	vadd.f32 $-1.000000000e+00, v19;
	[tilespmem:v18+s4+$0x0] =	vst.idx.add.f32.msk $0xffff, v1  }
.Ltmp1:
0x8e: {  	v25 =	vadd.f32 v15, v15;
	v20 =	vmin.f32 v5, $1.600000000e+01;
	v19 =	vadd.f32 $1.000000000e+00, v38;
	(pc) =	sbr.rel @p1 .LBB2_5-.Ltmp1, $4  }
0x8f: {  	v27 =	vadd.f32 $1.000000000e+00, v37;
	v26 =	vmul.f32 $5.115000000e+02, v20;
	v20 =	vmul.f32 $5.115000000e+02, v24;
	[tilespmem:v18+s14+$0x0] =	vst.idx.add.f32.msk $0xffff, v3;
	v3 =	vmovc v9  }
0x90: {  	v24 =	vmul.f32 v31, v30;
	v9 =	vmax.f32 v21, $0.0e+00;
	v21 =	vadd.f32 $-1.000000000e+00, v25;
	[tilespmem:v32+s4+$0x0] =	vst.idx.add.f32.msk $0xffff, v1  }
0x91: {  	v22 =	vmul.f32 v22, v23;
	v18 =	vadd.f32 v26, v27;
	v25 =	vmin.f32 v9, $1.600000000e+01;
	[tilespmem:v32+s14+$0x0] =	vst.idx.add.f32.msk $0xffff, v17  }
0x92: {  	v23 =	vmul.f32 $5.115000000e+02, v25;
	v17 =	vmul.f32 v21, v28;
	v21 =	vsub.f32 $1.000000000e+00, v24  }
0x93: {  	v2 =	vsub.f32 $1.000000000e+00, v22  }
0x94: {  	v4 =	vadd.f32 v20, v19;
	v11 =	vmul.f32 v14, v11;
	v15 =	vmul.f32 $8.192000000e+03, v15  }
0x95: {  	v59 =	vmin.f32 v3, $1.600000000e+01;
	v8 =	vadd.f32 $1.000000000e+00, v8;
	v18 =	vtrunc.f32 v18  }
0x96: {  	v7 =	vmul.f32 $8.192000000e+03, v7;
	v54 =	vadd.f32 v23, v16;
	v17 =	vsub.f32 $1.000000000e+00, v17  }
0x97: {  	v56 =	vmax.f32 v21, $0.0e+00;
	v21 =	vmul.f32 $5.115000000e+02, v59;
	v60 =	vcvt.f32.s32 v18  }
0x98: {  	v2 =	vmax.f32 v2, $0.0e+00;
	v4 =	vtrunc.f32 v4;
	v58 =	vmin.f32 v56, $1.600000000e+01  }
0x99: {  	v55 =	vmin.f32 v2, $1.600000000e+01;
	v14 =	vtrunc.f32 v54;
	v20 =	vmul.f32 $5.115000000e+02, v58  }
0x9a: {  	v12 =	vadd.f32 $1.000000000e+00, v12;
	v16 =	vmul.f32 $5.115000000e+02, v55;
	v14 =	vcvt.f32.s32 v14  }
0x9b: {  	v11 =	vsub.f32 $1.000000000e+00, v11;
	v57 =	vmax.f32 v17, $0.0e+00;
	v8 =	vadd.f32 v20, v8  }
0x9c: {  	v4 =	vcvt.f32.s32 v4;
	v17 =	vmin.f32 v57, $1.600000000e+01;
	v12 =	vadd.f32 v16, v12  }
0x9d: {  	v15 =	vadd.f32 $1.000000000e+00, v15;
	v17 =	vmul.f32 $5.115000000e+02, v17;
	v8 =	vtrunc.f32 v8  }
0x9e: {  	[tilespmem:v60+s4+$0x0] =	vst.idx.add.f32.msk $0xffff, v1;
	v12 =	vtrunc.f32 v12;
	v8 =	vcvt.f32.s32 v8  }
0x9f: {  	v11 =	vmax.f32 v11, $0.0e+00;
	v15 =	vadd.f32 v17, v15;
	[tilespmem:v60+s14+$0x0] =	vst.idx.add.f32.msk $0xffff, v5;
	v12 =	vcvt.f32.s32 v12  }
0xa0: {  	v10 =	vadd.f32 v21, v10;
	v61 =	vmin.f32 v11, $1.600000000e+01;
	[tilespmem:v14+s4+$0x0] =	vst.idx.add.f32.msk $0xffff, v1  }
0xa1: {  	v7 =	vadd.f32 $1.000000000e+00, v7;
	v15 =	vtrunc.f32 v15;
	[tilespmem:v14+s14+$0x0] =	vst.idx.add.f32.msk $0xffff, v9;
	v14 =	vmul.f32 $5.115000000e+02, v61  }
0xa2: {  	v62 =	vtrunc.f32 v10;
	[tilespmem:v4+s4+$0x0] =	vst.idx.add.f32.msk $0xffff, v1;
	v15 =	vcvt.f32.s32 v15  }
0xa3: {  	[tilespmem:v4+s14+$0x0] =	vst.idx.add.f32.msk $0xffff, v6;
	v4 =	vcvt.f32.s32 v62;
	v7 =	vadd.f32 v14, v7  }
0xa4: {  	[tilespmem:v8+s4+$0x0] =	vst.idx.add.f32.msk $0xffff, v1  }
0xa5: {  	[tilespmem:v12+s4+$0x0] =	vst.idx.add.f32.msk $0xffff, v1;
	v63 =	vtrunc.f32 v7  }
0xa6: {  	[tilespmem:v8+s14+$0x0] =	vst.idx.add.f32.msk $0xffff, v56;
	v5 =	vcvt.f32.s32 v63  }
0xa7: {  	[tilespmem:v12+s14+$0x0] =	vst.idx.add.f32.msk $0xffff, v2  }
0xa8: {  	[tilespmem:v15+s4+$0x0] =	vst.idx.add.f32.msk $0xffff, v1  }
0xa9: {  	[tilespmem:v4+s4+$0x0] =	vst.idx.add.f32.msk $0xffff, v1  }
0xaa: {  	[tilespmem:v15+s14+$0x0] =	vst.idx.add.f32.msk $0xffff, v57  }
0xab: {  	[tilespmem:v4+s14+$0x0] =	vst.idx.add.f32.msk $0xffff, v3  }
0xac: {  	[tilespmem:v5+s4+$0x0] =	vst.idx.add.f32.msk $0xffff, v1  }
0xad: {  	v3 =	vmax.f32 v13, v9;
	[tilespmem:v5+s14+$0x0] =	vst.idx.add.f32.msk $0xffff, v11  }
0xae: {  	p1 =	sne.s32 s28, s26;
	v3 =	vmax.f32 v3, v6;
	v4 =	vld [tilespmem:$0x8000]  }
0xaf: {  	s0 =	simm.s32 $0x1;
	s25 =	sadd.s32 $0x1, s25;
	p0 =	por p0, p1;
	v3 =	vmax.f32 v3, v57  }
0xb0: {  	s0 =	simm.s32 @!p0 $0x0;
	p0 =	sne.s32 s25, $0x10;
	v2 =	vmax.f32 v3, v2  }
.Ltmp2:
0xb1: {  	v2 =	vmax.f32 v2, v11;
	(pc) =	sbr.rel @p0 .LBB2_4-.Ltmp2, $4  }
0xb2: {  	v2 =	vmax.f32 v2, v56  }
0xb3: {  	v2 =	vmax.f32 v4, v2  }
0xb4: {  	s23 =	sadd.s32 s23, s30;
	s28 =	smov.u32 s26;
	[tilespmem:$0x8000] =	vst v2  }
0xb5: {  	s24 =	sadd.s32 s0, s24;
	s22 =	sadd.s32 s0, s22;
	_ =	strace $0x9000004D  }
0xb6: {  	s0 =	rddreg [dreg:$0x6];
	s3 =	simm.s32 $0x80  }
0xb7: {  	[hbm4b:s0+s3] =	stream.strided.scatter [tilespmem:s4], [sflag:$0x1], $0x4000, s17, s3, $0x38;
	[tilespmem:$0x10080] =	vst v63  }
0xb8: {  	_ =	swait.ge [sflag:s15], $0x4000  }
0xb9: {  	[sflag:s15] =	ssyncset.done $0x0  }
0xba: {  	[sflag:s15] =	ssyncadd.s32 $0xFFFFC000  }
0xbb: {  	[hbm4b:s9+s3] =	stream.strided.scatter [tilespmem:s14], [sflag:$0x1], $0x4000, s17, s3, $0x38;
	[tilespmem:$0x10080] =	vst v63  }
0xbc: {  	s19 =	sadd.s32 $0x1, s19;
	_ =	swait.ge [sflag:s15], $0x4000  }
0xbd: {  	p0 =	sne.s32 s19, s11;
	[sflag:s15] =	ssyncset.done $0x0  }
.Ltmp3:
0xbe: {  	s31 =	simm.s32 $0x8000;
	[sflag:s15] =	ssyncadd.s32 $0xFFFFC000;
	(pc) =	sbr.rel @p0 .LBB2_1-.Ltmp3, $4  }
0xbf: {  	[hbm4b:s10+s4] =	stream.linear.scatter [tilespmem:s31], [sflag:$0x1], $0x80, $0x38;
	[tilespmem:$0x10080] =	vst v63  }
0xc0: {  	_ =	swait.ge [sflag:s15], $0x80  }
0xc1: {  	[sflag:s15] =	ssyncset.done $0x0  }
0xc2: {  	[sflag:s15] =	ssyncadd.s32 $0xFFFFFF80  }
0xc3: {  	_ =	sfence.sel $0x180000  }
0xc4: {  	[bflag:$0x0] =	sbarrier.arrive $0xFFFF  }
0xc5: {  	_ =	strace $0x90000047  }
0xc6: {  	s0 =	stileid.u32;
	[bflag:$0x2] =	sbarrier.arrive $0xFFFF  }
0xc7: {  	p0 =	sne.s32 s0, $0x0;
	s0 =	rddreg [dreg:$0x3]  }
0xc8: {  	s0 =	sadd.s32 @!p0 $0x100000, s0  }
0xc9: {  	[sflag:s0] =	ssyncadd.tile.s32 @!p0 $0x1;
	_ =	shalt  }
.Lfunc_end2:
_tile_overlayer_lowered:
.L_overlay_start_2:
0xca: {  	(tag) =	ssettag $0x2  }
0xcb: {  	s0 =	rddreg [dreg:$0x0];
	s2 =	stileid.u32  }
0xcc: {  	s1 =	rddreg [dreg:$0x1];
	p0 =	sne.s32 s2, $0x0  }
0xcd: {  	s3 =	rddreg [dreg:$0x2];
	[bflag:$0x3] =	sbarrier.arrive $0xFFFF;
	s2 =	simm.s32 @!p0 $0x1C01  }
0xce: {  	[timem:s3], [sflag:s2] =	dma.local @!p0 [hbm:s0], s1  }
0xcf: {  	s0 =	simm.s32 @!p0 $0x1  }
0xd0: {  	_ =	swait.ge @!p0 [sflag:s0], s1  }
0xd1: {  	s1 =	ssub.s32 @!p0 $0x0, s1;
	[sflag:s0] =	ssyncset.done @!p0 $0x0  }
0xd2: {  	[sflag:s0] =	ssyncadd.s32 @!p0 s1  }
0xd3: {  	[bflag:$0x3] =	sbarrier.arrive $0xFFFF  }
0xd4: {  	_ =	shalt  }

</sc_bundles>
